<compile_context>
chip_gen: v7x
topology: tpu7x:2x2x1
jax: 0.10.2.dev20260603
libtpu: 0.0.44.dev20260713+nightly
codegen_flags: <defaults>
</compile_context>

<pallas_src>
import functools

import jax
import jax.numpy as jnp
from jax import lax
from jax.experimental import pallas as pl
from jax.experimental.pallas import tpu as pltpu
from jax.experimental.pallas import tpu_sc as plsc

_NUM_CAT = 26
_NUM_ATTR = 126
_NUM_NUM = _NUM_ATTR - _NUM_CAT
_K = 5
_BATCH = 16384
_VOCAB = 1000
_TBL = 1024
_W = 16
_NTILES = 16
_BPT = _BATCH // _NTILES
_ROWBLK = 8192


def _tc_pack_body(inp_ref, cmask_ref, nmask_ref, packed_ref, sd_ref, bias_ref):
    @pl.when(pl.program_id(0) == 0)
    def _():
        cmr = cmask_ref[...]
        cme = jnp.exp(cmr - jnp.max(cmr))
        cm = cme / jnp.sum(cme)
        top_cat_val = jnp.max(cm)
        lane26 = lax.broadcasted_iota(jnp.int32, (1, _NUM_CAT), 1)
        cat_col = jnp.min(jnp.where(cm >= top_cat_val, lane26, _NUM_CAT))
        lane16 = lax.broadcasted_iota(jnp.int32, (1, _W), 1)
        bias_ref[...] = ((lane16 == _K).astype(jnp.float32)
                         + (lane16 == _K + 1).astype(jnp.float32)
                         * cat_col.astype(jnp.float32))

        nmr = nmask_ref[...]
        nme = jnp.exp(nmr - jnp.max(nmr))
        nm = nme / jnp.sum(nme)
        lane100 = lax.broadcasted_iota(jnp.int32, (1, _NUM_NUM), 1)
        riota = lax.broadcasted_iota(jnp.int32, (_NUM_ATTR, _W), 0)
        ciota = lax.broadcasted_iota(jnp.int32, (_NUM_ATTR, _W), 1)

        work = nm
        sd = jnp.zeros((_NUM_ATTR, _W), jnp.float32)
        for j in range(_K):
            mj = jnp.max(work)
            cj = jnp.min(jnp.where(work >= mj, lane100, _NUM_NUM))
            conf_j = (mj + top_cat_val) * 0.5
            sd = sd + ((riota == (cj + _NUM_CAT)) & (ciota == j)
                       ).astype(jnp.float32) * conf_j
            work = jnp.where(lane100 == cj, -1.0, work)
        sd_ref[...] = sd

    sel = jnp.dot(inp_ref[...], sd_ref[...],
                  precision=jax.lax.Precision.DEFAULT,
                  preferred_element_type=jnp.float32)
    packed_ref[...] = sel + bias_ref[...]


def _tc_pack(inputs, cat_mask, numeric_mask):
    grid = (_BATCH // _ROWBLK,)
    return pl.pallas_call(
        _tc_pack_body,
        grid=grid,
        in_specs=[
            pl.BlockSpec((_ROWBLK, _NUM_ATTR), lambda i: (i, 0)),
            pl.BlockSpec((1, _NUM_CAT), lambda i: (0, 0)),
            pl.BlockSpec((1, _NUM_NUM), lambda i: (0, 0)),
        ],
        out_specs=pl.BlockSpec((_ROWBLK, _W), lambda i: (i, 0)),
        out_shape=jax.ShapeDtypeStruct((_BATCH, _W), jnp.float32),
        scratch_shapes=[
            pltpu.VMEM((_NUM_ATTR, _W), jnp.float32),
            pltpu.VMEM((1, _W), jnp.float32),
        ],
    )(inputs, cat_mask.reshape(1, _NUM_CAT),
      numeric_mask.reshape(1, _NUM_NUM))


def _sc_body(packed_hbm, idxt_hbm, out_hbm, idx_v, rows_v, slice_v, out5_v,
             table_sh):
    w = lax.axis_index("s")
    base = w * _BPT
    rows_per_tile = _TBL // _NTILES

    zrow = jnp.zeros((16,), jnp.float32)

    def zbody(i, c):
        slice_v[i, :] = zrow
        return c

    lax.fori_loop(0, rows_per_tile, zbody, 0)
    pltpu.sync_copy(slice_v, table_sh.at[pl.ds(w * rows_per_tile, rows_per_tile)])

    pltpu.sync_copy(packed_hbm.at[pl.ds(base, _BPT)], rows_v)
    cat_col = rows_v[0, :][_K + 1].astype(jnp.int32)
    pltpu.sync_copy(idxt_hbm.at[cat_col, pl.ds(w * 8, 8)], idx_v)
    plsc.subcore_barrier()

    for j in range(_BPT // 128):
        pltpu.sync_copy(rows_v.at[pl.ds(j * 128, 128)],
                        table_sh.at[idx_v.at[j]], add=True)
    plsc.subcore_barrier()

    pltpu.sync_copy(table_sh.at[pl.ds(w * rows_per_tile, rows_per_tile)], slice_v)

    def nbody(i, c):
        row = slice_v[i, :]
        cnt = row[_K]
        cntv = jnp.full((16,), cnt, jnp.float32)
        scale = cntv / jnp.maximum(cntv * cntv, 1.0)
        slice_v[i, :] = row * scale
        return c

    lax.fori_loop(0, rows_per_tile, nbody, 0)
    pltpu.sync_copy(slice_v, table_sh.at[pl.ds(w * rows_per_tile, rows_per_tile)])
    plsc.subcore_barrier()

    pltpu.sync_copy(table_sh, rows_v)

    def gbody(c, carry):
        idx16 = idx_v[c // 8, pl.ds((c % 8) * 16, 16)]
        for j in range(_K):
            vals = plsc.load_gather(rows_v, [idx16, jnp.full((16,), j, jnp.int32)])
            out5_v[j, pl.ds(c * 16, 16)] = vals
        return carry

    lax.fori_loop(0, _BPT // 16, gbody, 0)
    for j in range(_K):
        pltpu.sync_copy(out5_v.at[j], out_hbm.at[j, pl.ds(base, _BPT)])


@functools.cache
def _sc_agg():
    return pl.kernel(
        _sc_body,
        out_type=jax.ShapeDtypeStruct((8, _BATCH), jnp.float32),
        mesh=plsc.VectorSubcoreMesh(core_axis_name="c", subcore_axis_name="s",
                                    num_cores=1),
        scratch_types=[
            pltpu.VMEM((_BPT // 128, 128), jnp.int32),
            pltpu.VMEM((_BPT, _W), jnp.float32),
            pltpu.VMEM((_TBL // _NTILES, _W), jnp.float32),
            pltpu.VMEM((_K, _BPT), jnp.float32),
            pltpu.VMEM_SHARED((_TBL, _W), jnp.float32),
        ],
        compiler_params=pltpu.CompilerParams(use_tc_tiling_on_sc=False,
                                             needs_layout_passes=False),
    )


@jax.jit
def kernel(inputs, idx_inputs, cat_mask, numeric_mask):
    packed = _tc_pack(inputs, cat_mask, numeric_mask)
    idxt = idx_inputs.T.reshape(_NUM_CAT, _BATCH // 128, 128)
    out8t = _sc_agg()(packed, idxt)
    return out8t[:_K].T

# --- scband reference (transcript-rebuilt; emitter-appended) ---
"""Pipeline reference for scband-feature-discovery-model-24223615550067 (READ-ONLY COPY).

The authoritative reference and input builder live on the scoring server;
editing this copy changes nothing except your own understanding.
"""

import jax, jax.numpy as jnp
import numpy as np

NUM_CAT = 26
NUM_ATTR = 126
N_ARY = 5
AGG_AVG = True
BATCH = 16384
VOCAB = 1000


def setup_inputs(seed: int = 0) -> dict:
    key = jax.random.key(seed)
    k1, k2, k3, k4 = jax.random.split(key, 4)
    inputs = jax.random.normal(k1, (BATCH, NUM_ATTR), dtype=jnp.float32)
    idx_inputs = jax.random.randint(k2, (BATCH, NUM_CAT), 0, VOCAB, dtype=jnp.int32)
    # learned mask parameters (tf.Variable uniform init in Aggregate.__init__)
    cat_mask = jax.random.uniform(k3, (NUM_CAT,), dtype=jnp.float32)
    numeric_mask = jax.random.uniform(k4, (NUM_ATTR - NUM_CAT,), dtype=jnp.float32)
    return {"inputs": inputs, "idx_inputs": idx_inputs, "cat_mask": cat_mask, "numeric_mask": numeric_mask}


def _forward(inputs, cat_mask, numeric_mask, idx_inputs, num_segments):
    num_numerics = NUM_ATTR - NUM_CAT
    cm = jax.nn.softmax(cat_mask)
    top_cat_val, top_cat_idx = jax.lax.top_k(cm, 1)  # k=1 categorical group-by column
    cat_idx = jnp.take(idx_inputs, top_cat_idx[0], axis=1)  # [B]
    updates = inputs[:, NUM_CAT:]  # numeric features [B, num_numerics]
    # tf.tensor_scatter_nd_add -> scatter-add
    agg = jnp.zeros((num_segments, num_numerics), dtype=inputs.dtype).at[cat_idx].add(updates)
    if AGG_AVG:
        counts = jnp.zeros((num_segments,), dtype=inputs.dtype).at[cat_idx].add(jnp.ones_like(inputs[:, 0]))
        denom = jnp.where(counts[:, None] == 0.0, 1.0, counts[:, None])
        agg = jnp.where(counts[:, None] > 0.0, agg / denom, 0.0)  # divide_no_nan
    gathered = jnp.take(agg, cat_idx, axis=0)  # gather back per row [B, num_numerics]
    nm = jax.nn.softmax(numeric_mask)
    k = min(N_ARY, num_numerics)
    top_num_val, top_num_idx = jax.lax.top_k(nm, k)
    conf = (top_num_val + top_cat_val) / 2.0  # [k]
    out = jnp.take(gathered, top_num_idx, axis=-1) * conf[None, :]
    return out


def reference(inputs, idx_inputs, cat_mask, numeric_mask):
    # cat_max + 1 (upper bound over all columns: static-safe, unused rows stay zero)
    num_segments = VOCAB
    return _forward(inputs, cat_mask, numeric_mask, idx_inputs, num_segments)

if __name__ == "__main__":
    import jax
    _d = setup_inputs()
    print(jax.jit(kernel)(*tuple(_d.values())))

</pallas_src>

<mosaic_0001>
#map = affine_map<(d0, d1) -> (0, 0)>
#map1 = affine_map<(d0, d1) -> (0, 0, 0)>
module attributes {stable_mosaic.version = 14 : i64} {
  func.func @_sc_body(%arg0: i32, %arg1: i32, %arg2: memref<16384x16xf32, #tpu.memory_space<hbm>>, %arg3: memref<26x128x128xi32, #tpu.memory_space<hbm>>, %arg4: memref<8x16384xf32, #tpu.memory_space<hbm>>, %arg5: memref<8x128xi32, #tpu.memory_space<vmem>>, %arg6: memref<1024x16xf32, #tpu.memory_space<vmem>>, %arg7: memref<64x16xf32, #tpu.memory_space<vmem>>, %arg8: memref<5x1024xf32, #tpu.memory_space<vmem>>, %arg9: memref<1024x16xf32, #tpu.memory_space<vmem_shared>>) attributes {dimension_semantics = [#tpu.dimension_semantics<core_parallel>, #tpu.dimension_semantics<subcore_parallel>], iteration_bounds = array<i64: 1, 16>, scalar_prefetch = 0 : i64, scratch_operands = 5 : i64, tpu.core_type = #tpu.core_type<sc_vector_subcore>, window_params = [{transform_indices = #map}, {transform_indices = #map1}, {transform_indices = #map}]} {
    %mul3A = arith.constant 1024 : i32
    %mul3A_0 = arith.muli %arg1, %mul3A : i32
    %broadcast_in_dim3A = arith.constant 0.000000e+00 : f32
    %broadcast_in_dim3A_1 = vector.broadcast %broadcast_in_dim3A : f32 to vector<16xf32>
    %scan3A = arith.constant 0 : i32
    %scan3A_2 = arith.constant 0 : i32
    %scan3A_3 = arith.constant 64 : i32
    %scan3A_4 = arith.addi %scan3A_2, %scan3A_3 : i32
    %scan3A_5 = arith.constant 1 : i32
    scf.for %scan3A_49 = %scan3A_2 to %scan3A_4 step %scan3A_5  : i32 {
      %swap3A = arith.index_cast %scan3A_49 : i32 to index
      %swap3A_50 = arith.constant 0 : index
      %swap3A_51 = tpu.vector_load %arg7[%swap3A, %swap3A_50] {strides = array<i32>} : memref<64x16xf32, #tpu.memory_space<vmem>>, vector<16xf32>,
      tpu.vector_store %arg7[%swap3A, %swap3A_50], %broadcast_in_dim3A_1 {strides = array<i32>} : memref<64x16xf32, #tpu.memory_space<vmem>>, vector<16xf32>,
    }
    %scan3A_6 = arith.constant 64 : i32
    %mul3A_7 = arith.constant 64 : i32
    %mul3A_8 = arith.muli %arg1, %mul3A_7 : i32
    "tpu.region"() ({
      %run_scoped3A_49 = tpu.sem_alloc : memref<!tpu.dma_semaphore, #tpu.memory_space<semaphore_mem>>
      %dma_start3A = arith.constant 0 : i32
      %dma_start3A_50 = tpu.memref_slice %arg9[%mul3A_8, %dma_start3A] : memref<1024x16xf32, #tpu.memory_space<vmem_shared>> -> memref<64x16xf32, #tpu.memory_space<vmem_shared>>
      %dma_start3A_51 = arith.constant 0 : i32
      %dma_start3A_52 = tpu.memref_slice %arg9[%mul3A_8, %dma_start3A_51] : memref<1024x16xf32, #tpu.memory_space<vmem_shared>> -> memref<64x16xf32, #tpu.memory_space<vmem_shared>>
      tpu.enqueue_dma source(%arg7 : memref<64x16xf32, #tpu.memory_space<vmem>>) target(%dma_start3A_52 : memref<64x16xf32, #tpu.memory_space<vmem_shared>>) target_semaphore(%run_scoped3A_49 : memref<!tpu.dma_semaphore, #tpu.memory_space<semaphore_mem>>)
      %dma_wait3A = arith.constant 0 : i32
      %dma_wait3A_53 = tpu.memref_slice %arg9[%mul3A_8, %dma_wait3A] : memref<1024x16xf32, #tpu.memory_space<vmem_shared>> -> memref<64x16xf32, #tpu.memory_space<vmem_shared>>
      %dma_wait3A_54 = arith.constant 0 : i32
      %dma_wait3A_55 = tpu.memref_slice %arg9[%mul3A_8, %dma_wait3A_54] : memref<1024x16xf32, #tpu.memory_space<vmem_shared>> -> memref<64x16xf32, #tpu.memory_space<vmem_shared>>
      tpu.wait_dma2 semaphore(%run_scoped3A_49 : memref<!tpu.dma_semaphore, #tpu.memory_space<semaphore_mem>>) src(%arg7 : memref<64x16xf32, #tpu.memory_space<vmem>>) dst(%dma_wait3A_55 : memref<64x16xf32, #tpu.memory_space<vmem_shared>>)
      tpu.yield
    }) : () -> ()
    "tpu.region"() ({
      %run_scoped3A_49 = tpu.sem_alloc : memref<!tpu.dma_semaphore, #tpu.memory_space<semaphore_mem>>
      %dma_start3A = arith.constant 0 : i32
      %dma_start3A_50 = tpu.memref_slice %arg2[%mul3A_0, %dma_start3A] : memref<16384x16xf32, #tpu.memory_space<hbm>> -> memref<1024x16xf32, #tpu.memory_space<hbm>>
      %dma_start3A_51 = arith.constant 0 : i32
      %dma_start3A_52 = tpu.memref_slice %arg2[%mul3A_0, %dma_start3A_51] : memref<16384x16xf32, #tpu.memory_space<hbm>> -> memref<1024x16xf32, #tpu.memory_space<hbm>>
      tpu.enqueue_dma source(%dma_start3A_52 : memref<1024x16xf32, #tpu.memory_space<hbm>>) target(%arg6 : memref<1024x16xf32, #tpu.memory_space<vmem>>) target_semaphore(%run_scoped3A_49 : memref<!tpu.dma_semaphore, #tpu.memory_space<semaphore_mem>>)
      %dma_wait3A = arith.constant 0 : i32
      %dma_wait3A_53 = tpu.memref_slice %arg2[%mul3A_0, %dma_wait3A] : memref<16384x16xf32, #tpu.memory_space<hbm>> -> memref<1024x16xf32, #tpu.memory_space<hbm>>
      %dma_wait3A_54 = arith.constant 0 : i32
      %dma_wait3A_55 = tpu.memref_slice %arg2[%mul3A_0, %dma_wait3A_54] : memref<16384x16xf32, #tpu.memory_space<hbm>> -> memref<1024x16xf32, #tpu.memory_space<hbm>>
      tpu.wait_dma2 semaphore(%run_scoped3A_49 : memref<!tpu.dma_semaphore, #tpu.memory_space<semaphore_mem>>) src(%dma_wait3A_55 : memref<1024x16xf32, #tpu.memory_space<hbm>>) dst(%arg6 : memref<1024x16xf32, #tpu.memory_space<vmem>>)
      tpu.yield
    }) : () -> ()
    %get3A = arith.constant 0 : i32
    %get3A_9 = arith.index_cast %get3A : i32 to index
    %get3A_10 = arith.constant 0 : index
    %get3A_11 = tpu.vector_load %arg6[%get3A_9, %get3A_10] {strides = array<i32>} : memref<1024x16xf32, #tpu.memory_space<vmem>>, vector<16xf32>,
    %slice3A = vector.extract_strided_slice %get3A_11 {offsets = [6], sizes = [1], strides = [1]} : vector<16xf32> to vector<1xf32>
    %squeeze3A = vector.extract %slice3A[0] : f32 from vector<1xf32>
    %convert_element_type3A = arith.fptosi %squeeze3A : f32 to i32
    %mul3A_12 = arith.constant 8 : i32
    %mul3A_13 = arith.muli %arg1, %mul3A_12 : i32
    "tpu.region"() ({
      %run_scoped3A_49 = tpu.sem_alloc : memref<!tpu.dma_semaphore, #tpu.memory_space<semaphore_mem>>
      %dma_start3A = arith.constant 0 : i32
      %dma_start3A_50 = tpu.memref_slice %arg3[%convert_element_type3A, %mul3A_13, %dma_start3A] : memref<26x128x128xi32, #tpu.memory_space<hbm>> -> memref<1x8x128xi32, #tpu.memory_space<hbm>>
      %dma_start3A_51 = tpu.memref_squeeze %dma_start3A_50 : memref<1x8x128xi32, #tpu.memory_space<hbm>> -> memref<8x128xi32, #tpu.memory_space<hbm>>
      %dma_start3A_52 = arith.constant 0 : i32
      %dma_start3A_53 = tpu.memref_slice %arg3[%convert_element_type3A, %mul3A_13, %dma_start3A_52] : memref<26x128x128xi32, #tpu.memory_space<hbm>> -> memref<1x8x128xi32, #tpu.memory_space<hbm>>
      %dma_start3A_54 = tpu.memref_squeeze %dma_start3A_53 : memref<1x8x128xi32, #tpu.memory_space<hbm>> -> memref<8x128xi32, #tpu.memory_space<hbm>>
      tpu.enqueue_dma source(%dma_start3A_54 : memref<8x128xi32, #tpu.memory_space<hbm>>) target(%arg5 : memref<8x128xi32, #tpu.memory_space<vmem>>) target_semaphore(%run_scoped3A_49 : memref<!tpu.dma_semaphore, #tpu.memory_space<semaphore_mem>>)
      %dma_wait3A = arith.constant 0 : i32
      %dma_wait3A_55 = tpu.memref_slice %arg3[%convert_element_type3A, %mul3A_13, %dma_wait3A] : memref<26x128x128xi32, #tpu.memory_space<hbm>> -> memref<1x8x128xi32, #tpu.memory_space<hbm>>
      %dma_wait3A_56 = tpu.memref_squeeze %dma_wait3A_55 : memref<1x8x128xi32, #tpu.memory_space<hbm>> -> memref<8x128xi32, #tpu.memory_space<hbm>>
      %dma_wait3A_57 = arith.constant 0 : i32
      %dma_wait3A_58 = tpu.memref_slice %arg3[%convert_element_type3A, %mul3A_13, %dma_wait3A_57] : memref<26x128x128xi32, #tpu.memory_space<hbm>> -> memref<1x8x128xi32, #tpu.memory_space<hbm>>
      %dma_wait3A_59 = tpu.memref_squeeze %dma_wait3A_58 : memref<1x8x128xi32, #tpu.memory_space<hbm>> -> memref<8x128xi32, #tpu.memory_space<hbm>>
      tpu.wait_dma2 semaphore(%run_scoped3A_49 : memref<!tpu.dma_semaphore, #tpu.memory_space<semaphore_mem>>) src(%dma_wait3A_59 : memref<8x128xi32, #tpu.memory_space<hbm>>) dst(%arg5 : memref<8x128xi32, #tpu.memory_space<vmem>>)
      tpu.yield
    }) : () -> ()
    %barrier3A = arith.constant 0 : index
    tpu.barrier barrier_id(%barrier3A)
    %run_scoped3A = arith.constant 0 : i32
    "tpu.region"() ({
      %run_scoped3A_49 = tpu.sem_alloc : memref<!tpu.dma_semaphore, #tpu.memory_space<semaphore_mem>>
      %dma_start3A = arith.constant 0 : i32
      %dma_start3A_50 = arith.constant 0 : i32
      %dma_start3A_51 = tpu.memref_slice %arg6[%dma_start3A, %dma_start3A_50] : memref<1024x16xf32, #tpu.memory_space<vmem>> -> memref<128x16xf32, #tpu.memory_space<vmem>>
      %dma_start3A_52 = arith.constant 0 : i32
      %dma_start3A_53 = tpu.memref_slice %arg5[%run_scoped3A, %dma_start3A_52] : memref<8x128xi32, #tpu.memory_space<vmem>> -> memref<1x128xi32, #tpu.memory_space<vmem>>
      %dma_start3A_54 = tpu.memref_squeeze %dma_start3A_53 : memref<1x128xi32, #tpu.memory_space<vmem>> -> memref<128xi32, #tpu.memory_space<vmem>>
      %dma_start3A_55 = arith.constant 0 : i32
      %dma_start3A_56 = arith.constant 0 : i32
      %dma_start3A_57 = tpu.memref_slice %arg9[%dma_start3A_55, %dma_start3A_56] : memref<1024x16xf32, #tpu.memory_space<vmem_shared>> -> memref<1024x16xf32, #tpu.memory_space<vmem_shared>>
      tpu.enqueue_indirect_dma source(%dma_start3A_51 : memref<128x16xf32, #tpu.memory_space<vmem>>) target(%dma_start3A_57 : memref<1024x16xf32, #tpu.memory_space<vmem_shared>>) offsets(%dma_start3A_54 : memref<128xi32, #tpu.memory_space<vmem>>) semaphore(%run_scoped3A_49 : memref<!tpu.dma_semaphore, #tpu.memory_space<semaphore_mem>>) {add = true}
      %dma_wait3A = arith.constant 0 : i32
      %dma_wait3A_58 = arith.constant 0 : i32
      %dma_wait3A_59 = tpu.memref_slice %arg6[%dma_wait3A, %dma_wait3A_58] : memref<1024x16xf32, #tpu.memory_space<vmem>> -> memref<128x16xf32, #tpu.memory_space<vmem>>
      %dma_wait3A_60 = arith.constant 0 : i32
      %dma_wait3A_61 = tpu.memref_slice %arg5[%run_scoped3A, %dma_wait3A_60] : memref<8x128xi32, #tpu.memory_space<vmem>> -> memref<1x128xi32, #tpu.memory_space<vmem>>
      %dma_wait3A_62 = tpu.memref_squeeze %dma_wait3A_61 : memref<1x128xi32, #tpu.memory_space<vmem>> -> memref<128xi32, #tpu.memory_space<vmem>>
      %dma_wait3A_63 = arith.constant 0 : i32
      %dma_wait3A_64 = arith.constant 0 : i32
      %dma_wait3A_65 = tpu.memref_slice %arg9[%dma_wait3A_63, %dma_wait3A_64] : memref<1024x16xf32, #tpu.memory_space<vmem_shared>> -> memref<1024x16xf32, #tpu.memory_space<vmem_shared>>
      tpu.wait_indirect_dma semaphore(%run_scoped3A_49 : memref<!tpu.dma_semaphore, #tpu.memory_space<semaphore_mem>>) src(%dma_wait3A_59 : memref<128x16xf32, #tpu.memory_space<vmem>>) dst(%dma_wait3A_65 : memref<1024x16xf32, #tpu.memory_space<vmem_shared>>)
      tpu.yield
    }) : () -> ()
    %run_scoped3A_14 = arith.constant 1 : i32
    "tpu.region"() ({
      %run_scoped3A_49 = tpu.sem_alloc : memref<!tpu.dma_semaphore, #tpu.memory_space<semaphore_mem>>
      %dma_start3A = arith.constant 128 : i32
      %dma_start3A_50 = arith.constant 0 : i32
      %dma_start3A_51 = tpu.memref_slice %arg6[%dma_start3A, %dma_start3A_50] : memref<1024x16xf32, #tpu.memory_space<vmem>> -> memref<128x16xf32, #tpu.memory_space<vmem>>
      %dma_start3A_52 = arith.constant 0 : i32
      %dma_start3A_53 = tpu.memref_slice %arg5[%run_scoped3A_14, %dma_start3A_52] : memref<8x128xi32, #tpu.memory_space<vmem>> -> memref<1x128xi32, #tpu.memory_space<vmem>>
      %dma_start3A_54 = tpu.memref_squeeze %dma_start3A_53 : memref<1x128xi32, #tpu.memory_space<vmem>> -> memref<128xi32, #tpu.memory_space<vmem>>
      %dma_start3A_55 = arith.constant 0 : i32
      %dma_start3A_56 = arith.constant 0 : i32
      %dma_start3A_57 = tpu.memref_slice %arg9[%dma_start3A_55, %dma_start3A_56] : memref<1024x16xf32, #tpu.memory_space<vmem_shared>> -> memref<1024x16xf32, #tpu.memory_space<vmem_shared>>
      tpu.enqueue_indirect_dma source(%dma_start3A_51 : memref<128x16xf32, #tpu.memory_space<vmem>>) target(%dma_start3A_57 : memref<1024x16xf32, #tpu.memory_space<vmem_shared>>) offsets(%dma_start3A_54 : memref<128xi32, #tpu.memory_space<vmem>>) semaphore(%run_scoped3A_49 : memref<!tpu.dma_semaphore, #tpu.memory_space<semaphore_mem>>) {add = true}
      %dma_wait3A = arith.constant 128 : i32
      %dma_wait3A_58 = arith.constant 0 : i32
      %dma_wait3A_59 = tpu.memref_slice %arg6[%dma_wait3A, %dma_wait3A_58] : memref<1024x16xf32, #tpu.memory_space<vmem>> -> memref<128x16xf32, #tpu.memory_space<vmem>>
      %dma_wait3A_60 = arith.constant 0 : i32
      %dma_wait3A_61 = tpu.memref_slice %arg5[%run_scoped3A_14, %dma_wait3A_60] : memref<8x128xi32, #tpu.memory_space<vmem>> -> memref<1x128xi32, #tpu.memory_space<vmem>>
      %dma_wait3A_62 = tpu.memref_squeeze %dma_wait3A_61 : memref<1x128xi32, #tpu.memory_space<vmem>> -> memref<128xi32, #tpu.memory_space<vmem>>
      %dma_wait3A_63 = arith.constant 0 : i32
      %dma_wait3A_64 = arith.constant 0 : i32
      %dma_wait3A_65 = tpu.memref_slice %arg9[%dma_wait3A_63, %dma_wait3A_64] : memref<1024x16xf32, #tpu.memory_space<vmem_shared>> -> memref<1024x16xf32, #tpu.memory_space<vmem_shared>>
      tpu.wait_indirect_dma semaphore(%run_scoped3A_49 : memref<!tpu.dma_semaphore, #tpu.memory_space<semaphore_mem>>) src(%dma_wait3A_59 : memref<128x16xf32, #tpu.memory_space<vmem>>) dst(%dma_wait3A_65 : memref<1024x16xf32, #tpu.memory_space<vmem_shared>>)
      tpu.yield
    }) : () -> ()
    %run_scoped3A_15 = arith.constant 2 : i32
    "tpu.region"() ({
      %run_scoped3A_49 = tpu.sem_alloc : memref<!tpu.dma_semaphore, #tpu.memory_space<semaphore_mem>>
      %dma_start3A = arith.constant 256 : i32
      %dma_start3A_50 = arith.constant 0 : i32
      %dma_start3A_51 = tpu.memref_slice %arg6[%dma_start3A, %dma_start3A_50] : memref<1024x16xf32, #tpu.memory_space<vmem>> -> memref<128x16xf32, #tpu.memory_space<vmem>>
      %dma_start3A_52 = arith.constant 0 : i32
      %dma_start3A_53 = tpu.memref_slice %arg5[%run_scoped3A_15, %dma_start3A_52] : memref<8x128xi32, #tpu.memory_space<vmem>> -> memref<1x128xi32, #tpu.memory_space<vmem>>
      %dma_start3A_54 = tpu.memref_squeeze %dma_start3A_53 : memref<1x128xi32, #tpu.memory_space<vmem>> -> memref<128xi32, #tpu.memory_space<vmem>>
      %dma_start3A_55 = arith.constant 0 : i32
      %dma_start3A_56 = arith.constant 0 : i32
      %dma_start3A_57 = tpu.memref_slice %arg9[%dma_start3A_55, %dma_start3A_56] : memref<1024x16xf32, #tpu.memory_space<vmem_shared>> -> memref<1024x16xf32, #tpu.memory_space<vmem_shared>>
      tpu.enqueue_indirect_dma source(%dma_start3A_51 : memref<128x16xf32, #tpu.memory_space<vmem>>) target(%dma_start3A_57 : memref<1024x16xf32, #tpu.memory_space<vmem_shared>>) offsets(%dma_start3A_54 : memref<128xi32, #tpu.memory_space<vmem>>) semaphore(%run_scoped3A_49 : memref<!tpu.dma_semaphore, #tpu.memory_space<semaphore_mem>>) {add = true}
      %dma_wait3A = arith.constant 256 : i32
      %dma_wait3A_58 = arith.constant 0 : i32
      %dma_wait3A_59 = tpu.memref_slice %arg6[%dma_wait3A, %dma_wait3A_58] : memref<1024x16xf32, #tpu.memory_space<vmem>> -> memref<128x16xf32, #tpu.memory_space<vmem>>
      %dma_wait3A_60 = arith.constant 0 : i32
      %dma_wait3A_61 = tpu.memref_slice %arg5[%run_scoped3A_15, %dma_wait3A_60] : memref<8x128xi32, #tpu.memory_space<vmem>> -> memref<1x128xi32, #tpu.memory_space<vmem>>
      %dma_wait3A_62 = tpu.memref_squeeze %dma_wait3A_61 : memref<1x128xi32, #tpu.memory_space<vmem>> -> memref<128xi32, #tpu.memory_space<vmem>>
      %dma_wait3A_63 = arith.constant 0 : i32
      %dma_wait3A_64 = arith.constant 0 : i32
      %dma_wait3A_65 = tpu.memref_slice %arg9[%dma_wait3A_63, %dma_wait3A_64] : memref<1024x16xf32, #tpu.memory_space<vmem_shared>> -> memref<1024x16xf32, #tpu.memory_space<vmem_shared>>
      tpu.wait_indirect_dma semaphore(%run_scoped3A_49 : memref<!tpu.dma_semaphore, #tpu.memory_space<semaphore_mem>>) src(%dma_wait3A_59 : memref<128x16xf32, #tpu.memory_space<vmem>>) dst(%dma_wait3A_65 : memref<1024x16xf32, #tpu.memory_space<vmem_shared>>)
      tpu.yield
    }) : () -> ()
    %run_scoped3A_16 = arith.constant 3 : i32
    "tpu.region"() ({
      %run_scoped3A_49 = tpu.sem_alloc : memref<!tpu.dma_semaphore, #tpu.memory_space<semaphore_mem>>
      %dma_start3A = arith.constant 384 : i32
      %dma_start3A_50 = arith.constant 0 : i32
      %dma_start3A_51 = tpu.memref_slice %arg6[%dma_start3A, %dma_start3A_50] : memref<1024x16xf32, #tpu.memory_space<vmem>> -> memref<128x16xf32, #tpu.memory_space<vmem>>
      %dma_start3A_52 = arith.constant 0 : i32
      %dma_start3A_53 = tpu.memref_slice %arg5[%run_scoped3A_16, %dma_start3A_52] : memref<8x128xi32, #tpu.memory_space<vmem>> -> memref<1x128xi32, #tpu.memory_space<vmem>>
      %dma_start3A_54 = tpu.memref_squeeze %dma_start3A_53 : memref<1x128xi32, #tpu.memory_space<vmem>> -> memref<128xi32, #tpu.memory_space<vmem>>
      %dma_start3A_55 = arith.constant 0 : i32
      %dma_start3A_56 = arith.constant 0 : i32
      %dma_start3A_57 = tpu.memref_slice %arg9[%dma_start3A_55, %dma_start3A_56] : memref<1024x16xf32, #tpu.memory_space<vmem_shared>> -> memref<1024x16xf32, #tpu.memory_space<vmem_shared>>
      tpu.enqueue_indirect_dma source(%dma_start3A_51 : memref<128x16xf32, #tpu.memory_space<vmem>>) target(%dma_start3A_57 : memref<1024x16xf32, #tpu.memory_space<vmem_shared>>) offsets(%dma_start3A_54 : memref<128xi32, #tpu.memory_space<vmem>>) semaphore(%run_scoped3A_49 : memref<!tpu.dma_semaphore, #tpu.memory_space<semaphore_mem>>) {add = true}
      %dma_wait3A = arith.constant 384 : i32
      %dma_wait3A_58 = arith.constant 0 : i32
      %dma_wait3A_59 = tpu.memref_slice %arg6[%dma_wait3A, %dma_wait3A_58] : memref<1024x16xf32, #tpu.memory_space<vmem>> -> memref<128x16xf32, #tpu.memory_space<vmem>>
      %dma_wait3A_60 = arith.constant 0 : i32
      %dma_wait3A_61 = tpu.memref_slice %arg5[%run_scoped3A_16, %dma_wait3A_60] : memref<8x128xi32, #tpu.memory_space<vmem>> -> memref<1x128xi32, #tpu.memory_space<vmem>>
      %dma_wait3A_62 = tpu.memref_squeeze %dma_wait3A_61 : memref<1x128xi32, #tpu.memory_space<vmem>> -> memref<128xi32, #tpu.memory_space<vmem>>
      %dma_wait3A_63 = arith.constant 0 : i32
      %dma_wait3A_64 = arith.constant 0 : i32
      %dma_wait3A_65 = tpu.memref_slice %arg9[%dma_wait3A_63, %dma_wait3A_64] : memref<1024x16xf32, #tpu.memory_space<vmem_shared>> -> memref<1024x16xf32, #tpu.memory_space<vmem_shared>>
      tpu.wait_indirect_dma semaphore(%run_scoped3A_49 : memref<!tpu.dma_semaphore, #tpu.memory_space<semaphore_mem>>) src(%dma_wait3A_59 : memref<128x16xf32, #tpu.memory_space<vmem>>) dst(%dma_wait3A_65 : memref<1024x16xf32, #tpu.memory_space<vmem_shared>>)
      tpu.yield
    }) : () -> ()
    %run_scoped3A_17 = arith.constant 4 : i32
    "tpu.region"() ({
      %run_scoped3A_49 = tpu.sem_alloc : memref<!tpu.dma_semaphore, #tpu.memory_space<semaphore_mem>>
      %dma_start3A = arith.constant 512 : i32
      %dma_start3A_50 = arith.constant 0 : i32
      %dma_start3A_51 = tpu.memref_slice %arg6[%dma_start3A, %dma_start3A_50] : memref<1024x16xf32, #tpu.memory_space<vmem>> -> memref<128x16xf32, #tpu.memory_space<vmem>>
      %dma_start3A_52 = arith.constant 0 : i32
      %dma_start3A_53 = tpu.memref_slice %arg5[%run_scoped3A_17, %dma_start3A_52] : memref<8x128xi32, #tpu.memory_space<vmem>> -> memref<1x128xi32, #tpu.memory_space<vmem>>
      %dma_start3A_54 = tpu.memref_squeeze %dma_start3A_53 : memref<1x128xi32, #tpu.memory_space<vmem>> -> memref<128xi32, #tpu.memory_space<vmem>>
      %dma_start3A_55 = arith.constant 0 : i32
      %dma_start3A_56 = arith.constant 0 : i32
      %dma_start3A_57 = tpu.memref_slice %arg9[%dma_start3A_55, %dma_start3A_56] : memref<1024x16xf32, #tpu.memory_space<vmem_shared>> -> memref<1024x16xf32, #tpu.memory_space<vmem_shared>>
      tpu.enqueue_indirect_dma source(%dma_start3A_51 : memref<128x16xf32, #tpu.memory_space<vmem>>) target(%dma_start3A_57 : memref<1024x16xf32, #tpu.memory_space<vmem_shared>>) offsets(%dma_start3A_54 : memref<128xi32, #tpu.memory_space<vmem>>) semaphore(%run_scoped3A_49 : memref<!tpu.dma_semaphore, #tpu.memory_space<semaphore_mem>>) {add = true}
      %dma_wait3A = arith.constant 512 : i32
      %dma_wait3A_58 = arith.constant 0 : i32
      %dma_wait3A_59 = tpu.memref_slice %arg6[%dma_wait3A, %dma_wait3A_58] : memref<1024x16xf32, #tpu.memory_space<vmem>> -> memref<128x16xf32, #tpu.memory_space<vmem>>
      %dma_wait3A_60 = arith.constant 0 : i32
      %dma_wait3A_61 = tpu.memref_slice %arg5[%run_scoped3A_17, %dma_wait3A_60] : memref<8x128xi32, #tpu.memory_space<vmem>> -> memref<1x128xi32, #tpu.memory_space<vmem>>
      %dma_wait3A_62 = tpu.memref_squeeze %dma_wait3A_61 : memref<1x128xi32, #tpu.memory_space<vmem>> -> memref<128xi32, #tpu.memory_space<vmem>>
      %dma_wait3A_63 = arith.constant 0 : i32
      %dma_wait3A_64 = arith.constant 0 : i32
      %dma_wait3A_65 = tpu.memref_slice %arg9[%dma_wait3A_63, %dma_wait3A_64] : memref<1024x16xf32, #tpu.memory_space<vmem_shared>> -> memref<1024x16xf32, #tpu.memory_space<vmem_shared>>
      tpu.wait_indirect_dma semaphore(%run_scoped3A_49 : memref<!tpu.dma_semaphore, #tpu.memory_space<semaphore_mem>>) src(%dma_wait3A_59 : memref<128x16xf32, #tpu.memory_space<vmem>>) dst(%dma_wait3A_65 : memref<1024x16xf32, #tpu.memory_space<vmem_shared>>)
      tpu.yield
    }) : () -> ()
    %run_scoped3A_18 = arith.constant 5 : i32
    "tpu.region"() ({
      %run_scoped3A_49 = tpu.sem_alloc : memref<!tpu.dma_semaphore, #tpu.memory_space<semaphore_mem>>
      %dma_start3A = arith.constant 640 : i32
      %dma_start3A_50 = arith.constant 0 : i32
      %dma_start3A_51 = tpu.memref_slice %arg6[%dma_start3A, %dma_start3A_50] : memref<1024x16xf32, #tpu.memory_space<vmem>> -> memref<128x16xf32, #tpu.memory_space<vmem>>
      %dma_start3A_52 = arith.constant 0 : i32
      %dma_start3A_53 = tpu.memref_slice %arg5[%run_scoped3A_18, %dma_start3A_52] : memref<8x128xi32, #tpu.memory_space<vmem>> -> memref<1x128xi32, #tpu.memory_space<vmem>>
      %dma_start3A_54 = tpu.memref_squeeze %dma_start3A_53 : memref<1x128xi32, #tpu.memory_space<vmem>> -> memref<128xi32, #tpu.memory_space<vmem>>
      %dma_start3A_55 = arith.constant 0 : i32
      %dma_start3A_56 = arith.constant 0 : i32
      %dma_start3A_57 = tpu.memref_slice %arg9[%dma_start3A_55, %dma_start3A_56] : memref<1024x16xf32, #tpu.memory_space<vmem_shared>> -> memref<1024x16xf32, #tpu.memory_space<vmem_shared>>
      tpu.enqueue_indirect_dma source(%dma_start3A_51 : memref<128x16xf32, #tpu.memory_space<vmem>>) target(%dma_start3A_57 : memref<1024x16xf32, #tpu.memory_space<vmem_shared>>) offsets(%dma_start3A_54 : memref<128xi32, #tpu.memory_space<vmem>>) semaphore(%run_scoped3A_49 : memref<!tpu.dma_semaphore, #tpu.memory_space<semaphore_mem>>) {add = true}
      %dma_wait3A = arith.constant 640 : i32
      %dma_wait3A_58 = arith.constant 0 : i32
      %dma_wait3A_59 = tpu.memref_slice %arg6[%dma_wait3A, %dma_wait3A_58] : memref<1024x16xf32, #tpu.memory_space<vmem>> -> memref<128x16xf32, #tpu.memory_space<vmem>>
      %dma_wait3A_60 = arith.constant 0 : i32
      %dma_wait3A_61 = tpu.memref_slice %arg5[%run_scoped3A_18, %dma_wait3A_60] : memref<8x128xi32, #tpu.memory_space<vmem>> -> memref<1x128xi32, #tpu.memory_space<vmem>>
      %dma_wait3A_62 = tpu.memref_squeeze %dma_wait3A_61 : memref<1x128xi32, #tpu.memory_space<vmem>> -> memref<128xi32, #tpu.memory_space<vmem>>
      %dma_wait3A_63 = arith.constant 0 : i32
      %dma_wait3A_64 = arith.constant 0 : i32
      %dma_wait3A_65 = tpu.memref_slice %arg9[%dma_wait3A_63, %dma_wait3A_64] : memref<1024x16xf32, #tpu.memory_space<vmem_shared>> -> memref<1024x16xf32, #tpu.memory_space<vmem_shared>>
      tpu.wait_indirect_dma semaphore(%run_scoped3A_49 : memref<!tpu.dma_semaphore, #tpu.memory_space<semaphore_mem>>) src(%dma_wait3A_59 : memref<128x16xf32, #tpu.memory_space<vmem>>) dst(%dma_wait3A_65 : memref<1024x16xf32, #tpu.memory_space<vmem_shared>>)
      tpu.yield
    }) : () -> ()
    %run_scoped3A_19 = arith.constant 6 : i32
    "tpu.region"() ({
      %run_scoped3A_49 = tpu.sem_alloc : memref<!tpu.dma_semaphore, #tpu.memory_space<semaphore_mem>>
      %dma_start3A = arith.constant 768 : i32
      %dma_start3A_50 = arith.constant 0 : i32
      %dma_start3A_51 = tpu.memref_slice %arg6[%dma_start3A, %dma_start3A_50] : memref<1024x16xf32, #tpu.memory_space<vmem>> -> memref<128x16xf32, #tpu.memory_space<vmem>>
      %dma_start3A_52 = arith.constant 0 : i32
      %dma_start3A_53 = tpu.memref_slice %arg5[%run_scoped3A_19, %dma_start3A_52] : memref<8x128xi32, #tpu.memory_space<vmem>> -> memref<1x128xi32, #tpu.memory_space<vmem>>
      %dma_start3A_54 = tpu.memref_squeeze %dma_start3A_53 : memref<1x128xi32, #tpu.memory_space<vmem>> -> memref<128xi32, #tpu.memory_space<vmem>>
      %dma_start3A_55 = arith.constant 0 : i32
      %dma_start3A_56 = arith.constant 0 : i32
      %dma_start3A_57 = tpu.memref_slice %arg9[%dma_start3A_55, %dma_start3A_56] : memref<1024x16xf32, #tpu.memory_space<vmem_shared>> -> memref<1024x16xf32, #tpu.memory_space<vmem_shared>>
      tpu.enqueue_indirect_dma source(%dma_start3A_51 : memref<128x16xf32, #tpu.memory_space<vmem>>) target(%dma_start3A_57 : memref<1024x16xf32, #tpu.memory_space<vmem_shared>>) offsets(%dma_start3A_54 : memref<128xi32, #tpu.memory_space<vmem>>) semaphore(%run_scoped3A_49 : memref<!tpu.dma_semaphore, #tpu.memory_space<semaphore_mem>>) {add = true}
      %dma_wait3A = arith.constant 768 : i32
      %dma_wait3A_58 = arith.constant 0 : i32
      %dma_wait3A_59 = tpu.memref_slice %arg6[%dma_wait3A, %dma_wait3A_58] : memref<1024x16xf32, #tpu.memory_space<vmem>> -> memref<128x16xf32, #tpu.memory_space<vmem>>
      %dma_wait3A_60 = arith.constant 0 : i32
      %dma_wait3A_61 = tpu.memref_slice %arg5[%run_scoped3A_19, %dma_wait3A_60] : memref<8x128xi32, #tpu.memory_space<vmem>> -> memref<1x128xi32, #tpu.memory_space<vmem>>
      %dma_wait3A_62 = tpu.memref_squeeze %dma_wait3A_61 : memref<1x128xi32, #tpu.memory_space<vmem>> -> memref<128xi32, #tpu.memory_space<vmem>>
      %dma_wait3A_63 = arith.constant 0 : i32
      %dma_wait3A_64 = arith.constant 0 : i32
      %dma_wait3A_65 = tpu.memref_slice %arg9[%dma_wait3A_63, %dma_wait3A_64] : memref<1024x16xf32, #tpu.memory_space<vmem_shared>> -> memref<1024x16xf32, #tpu.memory_space<vmem_shared>>
      tpu.wait_indirect_dma semaphore(%run_scoped3A_49 : memref<!tpu.dma_semaphore, #tpu.memory_space<semaphore_mem>>) src(%dma_wait3A_59 : memref<128x16xf32, #tpu.memory_space<vmem>>) dst(%dma_wait3A_65 : memref<1024x16xf32, #tpu.memory_space<vmem_shared>>)
      tpu.yield
    }) : () -> ()
    %run_scoped3A_20 = arith.constant 7 : i32
    "tpu.region"() ({
      %run_scoped3A_49 = tpu.sem_alloc : memref<!tpu.dma_semaphore, #tpu.memory_space<semaphore_mem>>
      %dma_start3A = arith.constant 896 : i32
      %dma_start3A_50 = arith.constant 0 : i32
      %dma_start3A_51 = tpu.memref_slice %arg6[%dma_start3A, %dma_start3A_50] : memref<1024x16xf32, #tpu.memory_space<vmem>> -> memref<128x16xf32, #tpu.memory_space<vmem>>
      %dma_start3A_52 = arith.constant 0 : i32
      %dma_start3A_53 = tpu.memref_slice %arg5[%run_scoped3A_20, %dma_start3A_52] : memref<8x128xi32, #tpu.memory_space<vmem>> -> memref<1x128xi32, #tpu.memory_space<vmem>>
      %dma_start3A_54 = tpu.memref_squeeze %dma_start3A_53 : memref<1x128xi32, #tpu.memory_space<vmem>> -> memref<128xi32, #tpu.memory_space<vmem>>
      %dma_start3A_55 = arith.constant 0 : i32
      %dma_start3A_56 = arith.constant 0 : i32
      %dma_start3A_57 = tpu.memref_slice %arg9[%dma_start3A_55, %dma_start3A_56] : memref<1024x16xf32, #tpu.memory_space<vmem_shared>> -> memref<1024x16xf32, #tpu.memory_space<vmem_shared>>
      tpu.enqueue_indirect_dma source(%dma_start3A_51 : memref<128x16xf32, #tpu.memory_space<vmem>>) target(%dma_start3A_57 : memref<1024x16xf32, #tpu.memory_space<vmem_shared>>) offsets(%dma_start3A_54 : memref<128xi32, #tpu.memory_space<vmem>>) semaphore(%run_scoped3A_49 : memref<!tpu.dma_semaphore, #tpu.memory_space<semaphore_mem>>) {add = true}
      %dma_wait3A = arith.constant 896 : i32
      %dma_wait3A_58 = arith.constant 0 : i32
      %dma_wait3A_59 = tpu.memref_slice %arg6[%dma_wait3A, %dma_wait3A_58] : memref<1024x16xf32, #tpu.memory_space<vmem>> -> memref<128x16xf32, #tpu.memory_space<vmem>>
      %dma_wait3A_60 = arith.constant 0 : i32
      %dma_wait3A_61 = tpu.memref_slice %arg5[%run_scoped3A_20, %dma_wait3A_60] : memref<8x128xi32, #tpu.memory_space<vmem>> -> memref<1x128xi32, #tpu.memory_space<vmem>>
      %dma_wait3A_62 = tpu.memref_squeeze %dma_wait3A_61 : memref<1x128xi32, #tpu.memory_space<vmem>> -> memref<128xi32, #tpu.memory_space<vmem>>
      %dma_wait3A_63 = arith.constant 0 : i32
      %dma_wait3A_64 = arith.constant 0 : i32
      %dma_wait3A_65 = tpu.memref_slice %arg9[%dma_wait3A_63, %dma_wait3A_64] : memref<1024x16xf32, #tpu.memory_space<vmem_shared>> -> memref<1024x16xf32, #tpu.memory_space<vmem_shared>>
      tpu.wait_indirect_dma semaphore(%run_scoped3A_49 : memref<!tpu.dma_semaphore, #tpu.memory_space<semaphore_mem>>) src(%dma_wait3A_59 : memref<128x16xf32, #tpu.memory_space<vmem>>) dst(%dma_wait3A_65 : memref<1024x16xf32, #tpu.memory_space<vmem_shared>>)
      tpu.yield
    }) : () -> ()
    %barrier3A_21 = arith.constant 0 : index
    tpu.barrier barrier_id(%barrier3A_21)
    %mul3A_22 = arith.constant 64 : i32
    %mul3A_23 = arith.muli %arg1, %mul3A_22 : i32
    "tpu.region"() ({
      %run_scoped3A_49 = tpu.sem_alloc : memref<!tpu.dma_semaphore, #tpu.memory_space<semaphore_mem>>
      %dma_start3A = arith.constant 0 : i32
      %dma_start3A_50 = tpu.memref_slice %arg9[%mul3A_23, %dma_start3A] : memref<1024x16xf32, #tpu.memory_space<vmem_shared>> -> memref<64x16xf32, #tpu.memory_space<vmem_shared>>
      %dma_start3A_51 = arith.constant 0 : i32
      %dma_start3A_52 = tpu.memref_slice %arg9[%mul3A_23, %dma_start3A_51] : memref<1024x16xf32, #tpu.memory_space<vmem_shared>> -> memref<64x16xf32, #tpu.memory_space<vmem_shared>>
      tpu.enqueue_dma source(%dma_start3A_52 : memref<64x16xf32, #tpu.memory_space<vmem_shared>>) target(%arg7 : memref<64x16xf32, #tpu.memory_space<vmem>>) target_semaphore(%run_scoped3A_49 : memref<!tpu.dma_semaphore, #tpu.memory_space<semaphore_mem>>)
      %dma_wait3A = arith.constant 0 : i32
      %dma_wait3A_53 = tpu.memref_slice %arg9[%mul3A_23, %dma_wait3A] : memref<1024x16xf32, #tpu.memory_space<vmem_shared>> -> memref<64x16xf32, #tpu.memory_space<vmem_shared>>
      %dma_wait3A_54 = arith.constant 0 : i32
      %dma_wait3A_55 = tpu.memref_slice %arg9[%mul3A_23, %dma_wait3A_54] : memref<1024x16xf32, #tpu.memory_space<vmem_shared>> -> memref<64x16xf32, #tpu.memory_space<vmem_shared>>
      tpu.wait_dma2 semaphore(%run_scoped3A_49 : memref<!tpu.dma_semaphore, #tpu.memory_space<semaphore_mem>>) src(%dma_wait3A_55 : memref<64x16xf32, #tpu.memory_space<vmem_shared>>) dst(%arg7 : memref<64x16xf32, #tpu.memory_space<vmem>>)
      tpu.yield
    }) : () -> ()
    %scan3A_24 = arith.constant 0 : i32
    %scan3A_25 = arith.constant 0 : i32
    %scan3A_26 = arith.constant 64 : i32
    %scan3A_27 = arith.addi %scan3A_25, %scan3A_26 : i32
    %scan3A_28 = arith.constant 1 : i32
    scf.for %scan3A_49 = %scan3A_25 to %scan3A_27 step %scan3A_28  : i32 {
      %get3A_50 = arith.index_cast %scan3A_49 : i32 to index
      %get3A_51 = arith.constant 0 : index
      %get3A_52 = tpu.vector_load %arg7[%get3A_50, %get3A_51] {strides = array<i32>} : memref<64x16xf32, #tpu.memory_space<vmem>>, vector<16xf32>,
      %slice3A_53 = vector.extract_strided_slice %get3A_52 {offsets = [5], sizes = [1], strides = [1]} : vector<16xf32> to vector<1xf32>
      %squeeze3A_54 = vector.extract %slice3A_53[0] : f32 from vector<1xf32>
      %broadcast_in_dim3A_55 = vector.broadcast %squeeze3A_54 : f32 to vector<16xf32>
      %mul3A_56 = arith.mulf %broadcast_in_dim3A_55, %broadcast_in_dim3A_55 : vector<16xf32>
      %max3A = arith.constant 1.000000e+00 : f32
      %max3A_57 = vector.broadcast %max3A : f32 to vector<16xf32>
      %max3A_58 = arith.maximumf %mul3A_56, %max3A_57 : vector<16xf32>
      %div3A = arith.divf %broadcast_in_dim3A_55, %max3A_58 : vector<16xf32>
      %mul3A_59 = arith.mulf %get3A_52, %div3A : vector<16xf32>
      %swap3A = arith.index_cast %scan3A_49 : i32 to index
      %swap3A_60 = arith.constant 0 : index
      %swap3A_61 = tpu.vector_load %arg7[%swap3A, %swap3A_60] {strides = array<i32>} : memref<64x16xf32, #tpu.memory_space<vmem>>, vector<16xf32>,
      tpu.vector_store %arg7[%swap3A, %swap3A_60], %mul3A_59 {strides = array<i32>} : memref<64x16xf32, #tpu.memory_space<vmem>>, vector<16xf32>,
    }
    %scan3A_29 = arith.constant 64 : i32
    %mul3A_30 = arith.constant 64 : i32
    %mul3A_31 = arith.muli %arg1, %mul3A_30 : i32
    "tpu.region"() ({
      %run_scoped3A_49 = tpu.sem_alloc : memref<!tpu.dma_semaphore, #tpu.memory_space<semaphore_mem>>
      %dma_start3A = arith.constant 0 : i32
      %dma_start3A_50 = tpu.memref_slice %arg9[%mul3A_31, %dma_start3A] : memref<1024x16xf32, #tpu.memory_space<vmem_shared>> -> memref<64x16xf32, #tpu.memory_space<vmem_shared>>
      %dma_start3A_51 = arith.constant 0 : i32
      %dma_start3A_52 = tpu.memref_slice %arg9[%mul3A_31, %dma_start3A_51] : memref<1024x16xf32, #tpu.memory_space<vmem_shared>> -> memref<64x16xf32, #tpu.memory_space<vmem_shared>>
      tpu.enqueue_dma source(%arg7 : memref<64x16xf32, #tpu.memory_space<vmem>>) target(%dma_start3A_52 : memref<64x16xf32, #tpu.memory_space<vmem_shared>>) target_semaphore(%run_scoped3A_49 : memref<!tpu.dma_semaphore, #tpu.memory_space<semaphore_mem>>)
      %dma_wait3A = arith.constant 0 : i32
      %dma_wait3A_53 = tpu.memref_slice %arg9[%mul3A_31, %dma_wait3A] : memref<1024x16xf32, #tpu.memory_space<vmem_shared>> -> memref<64x16xf32, #tpu.memory_space<vmem_shared>>
      %dma_wait3A_54 = arith.constant 0 : i32
      %dma_wait3A_55 = tpu.memref_slice %arg9[%mul3A_31, %dma_wait3A_54] : memref<1024x16xf32, #tpu.memory_space<vmem_shared>> -> memref<64x16xf32, #tpu.memory_space<vmem_shared>>
      tpu.wait_dma2 semaphore(%run_scoped3A_49 : memref<!tpu.dma_semaphore, #tpu.memory_space<semaphore_mem>>) src(%arg7 : memref<64x16xf32, #tpu.memory_space<vmem>>) dst(%dma_wait3A_55 : memref<64x16xf32, #tpu.memory_space<vmem_shared>>)
      tpu.yield
    }) : () -> ()
    %barrier3A_32 = arith.constant 0 : index
    tpu.barrier barrier_id(%barrier3A_32)
    "tpu.region"() ({
      %run_scoped3A_49 = tpu.sem_alloc : memref<!tpu.dma_semaphore, #tpu.memory_space<semaphore_mem>>
      tpu.enqueue_dma source(%arg9 : memref<1024x16xf32, #tpu.memory_space<vmem_shared>>) target(%arg6 : memref<1024x16xf32, #tpu.memory_space<vmem>>) target_semaphore(%run_scoped3A_49 : memref<!tpu.dma_semaphore, #tpu.memory_space<semaphore_mem>>)
      tpu.wait_dma2 semaphore(%run_scoped3A_49 : memref<!tpu.dma_semaphore, #tpu.memory_space<semaphore_mem>>) src(%arg9 : memref<1024x16xf32, #tpu.memory_space<vmem_shared>>) dst(%arg6 : memref<1024x16xf32, #tpu.memory_space<vmem>>)
      tpu.yield
    }) : () -> ()
    %scan3A_33 = arith.constant 0 : i32
    %scan3A_34 = arith.constant 0 : i32
    %scan3A_35 = arith.constant 64 : i32
    %scan3A_36 = arith.addi %scan3A_34, %scan3A_35 : i32
    %scan3A_37 = arith.constant 1 : i32
    scf.for %scan3A_49 = %scan3A_34 to %scan3A_36 step %scan3A_37  : i32 {
      %jit3A = arith.constant 8 : i32
      %div3A = arith.divsi %scan3A_49, %jit3A : i32
      %sign3A = arith.constant 0 : i32
      %sign3A_50 = arith.cmpi sgt, %scan3A_49, %sign3A : i32
      %sign3A_51 = arith.extui %sign3A_50 : i1 to i32
      %sign3A_52 = arith.constant 0 : i32
      %sign3A_53 = arith.cmpi slt, %scan3A_49, %sign3A_52 : i32
      %sign3A_54 = arith.extui %sign3A_53 : i1 to i32
      %sign3A_55 = arith.subi %sign3A_51, %sign3A_54 : i32
      %sign3A_56 = arith.constant 0 : i32
      %sign3A_57 = arith.cmpi sgt, %jit3A, %sign3A_56 : i32
      %sign3A_58 = arith.extui %sign3A_57 : i1 to i32
      %sign3A_59 = arith.constant 0 : i32
      %sign3A_60 = arith.cmpi slt, %jit3A, %sign3A_59 : i32
      %sign3A_61 = arith.extui %sign3A_60 : i1 to i32
      %sign3A_62 = arith.subi %sign3A_58, %sign3A_61 : i32
      %ne3A = arith.cmpi ne, %sign3A_55, %sign3A_62 : i32
      %rem3A = arith.remsi %scan3A_49, %jit3A : i32
      %ne3A_63 = arith.constant 0 : i32
      %ne3A_64 = arith.cmpi ne, %rem3A, %ne3A_63 : i32
      %and3A = arith.andi %ne3A, %ne3A_64 : i1
      %sub3A = arith.constant 1 : i32
      %sub3A_65 = arith.subi %div3A, %sub3A : i32
      %select_n3A = arith.select %and3A, %sub3A_65, %div3A : i32
      %jit3A_66 = arith.constant 8 : i32
      %eq3A = arith.constant 0 : i32
      %eq3A_67 = arith.cmpi eq, %jit3A_66, %eq3A : i32
      %jit3A_68 = arith.constant 1 : i32
      %select_n3A_69 = arith.select %eq3A_67, %jit3A_68, %jit3A_66 : i32
      %rem3A_70 = arith.remsi %scan3A_49, %select_n3A_69 : i32
      %ne3A_71 = arith.constant 0 : i32
      %ne3A_72 = arith.cmpi ne, %rem3A_70, %ne3A_71 : i32
      %lt3A = arith.constant 0 : i32
      %lt3A_73 = arith.cmpi slt, %rem3A_70, %lt3A : i32
      %lt3A_74 = arith.constant 0 : i32
      %lt3A_75 = arith.cmpi slt, %select_n3A_69, %lt3A_74 : i32
      %ne3A_76 = arith.xori %lt3A_73, %lt3A_75 : i1
      %and3A_77 = arith.andi %ne3A_76, %ne3A_72 : i1
      %add3A = arith.addi %rem3A_70, %select_n3A_69 : i32
      %select_n3A_78 = arith.select %and3A_77, %add3A, %rem3A_70 : i32
      %mul3A_79 = arith.constant 16 : i32
      %mul3A_80 = arith.muli %select_n3A_78, %mul3A_79 : i32
      %get3A_81 = arith.index_cast %select_n3A : i32 to index
      %get3A_82 = arith.index_cast %mul3A_80 : i32 to index
      %get3A_83 = tpu.vector_load %arg5[%get3A_81, %get3A_82] {strides = array<i32>} : memref<8x128xi32, #tpu.memory_space<vmem>>, vector<16xi32>,
      %broadcast_in_dim3A_84 = arith.constant 0 : i32
      %broadcast_in_dim3A_85 = vector.broadcast %broadcast_in_dim3A_84 : i32 to vector<16xi32>
      %gather3A = tpu.vector_load_idx %arg6[%get3A_83, %broadcast_in_dim3A_85] : memref<1024x16xf32, #tpu.memory_space<vmem>>[vector<16xi32>, vector<16xi32>], vector<16xf32>,
      %mul3A_86 = arith.constant 16 : i32
      %mul3A_87 = arith.muli %scan3A_49, %mul3A_86 : i32
      %swap3A = arith.constant 0 : i32
      %swap3A_88 = arith.index_cast %swap3A : i32 to index
      %swap3A_89 = arith.index_cast %mul3A_87 : i32 to index
      %swap3A_90 = tpu.vector_load %arg8[%swap3A_88, %swap3A_89] {strides = array<i32>} : memref<5x1024xf32, #tpu.memory_space<vmem>>, vector<16xf32>,
      tpu.vector_store %arg8[%swap3A_88, %swap3A_89], %gather3A {strides = array<i32>} : memref<5x1024xf32, #tpu.memory_space<vmem>>, vector<16xf32>,
      %broadcast_in_dim3A_91 = arith.constant 1 : i32
      %broadcast_in_dim3A_92 = vector.broadcast %broadcast_in_dim3A_91 : i32 to vector<16xi32>
      %gather3A_93 = tpu.vector_load_idx %arg6[%get3A_83, %broadcast_in_dim3A_92] : memref<1024x16xf32, #tpu.memory_space<vmem>>[vector<16xi32>, vector<16xi32>], vector<16xf32>,
      %mul3A_94 = arith.constant 16 : i32
      %mul3A_95 = arith.muli %scan3A_49, %mul3A_94 : i32
      %swap3A_96 = arith.constant 1 : i32
      %swap3A_97 = arith.index_cast %swap3A_96 : i32 to index
      %swap3A_98 = arith.index_cast %mul3A_95 : i32 to index
      %swap3A_99 = tpu.vector_load %arg8[%swap3A_97, %swap3A_98] {strides = array<i32>} : memref<5x1024xf32, #tpu.memory_space<vmem>>, vector<16xf32>,
      tpu.vector_store %arg8[%swap3A_97, %swap3A_98], %gather3A_93 {strides = array<i32>} : memref<5x1024xf32, #tpu.memory_space<vmem>>, vector<16xf32>,
      %broadcast_in_dim3A_100 = arith.constant 2 : i32
      %broadcast_in_dim3A_101 = vector.broadcast %broadcast_in_dim3A_100 : i32 to vector<16xi32>
      %gather3A_102 = tpu.vector_load_idx %arg6[%get3A_83, %broadcast_in_dim3A_101] : memref<1024x16xf32, #tpu.memory_space<vmem>>[vector<16xi32>, vector<16xi32>], vector<16xf32>,
      %mul3A_103 = arith.constant 16 : i32
      %mul3A_104 = arith.muli %scan3A_49, %mul3A_103 : i32
      %swap3A_105 = arith.constant 2 : i32
      %swap3A_106 = arith.index_cast %swap3A_105 : i32 to index
      %swap3A_107 = arith.index_cast %mul3A_104 : i32 to index
      %swap3A_108 = tpu.vector_load %arg8[%swap3A_106, %swap3A_107] {strides = array<i32>} : memref<5x1024xf32, #tpu.memory_space<vmem>>, vector<16xf32>,
      tpu.vector_store %arg8[%swap3A_106, %swap3A_107], %gather3A_102 {strides = array<i32>} : memref<5x1024xf32, #tpu.memory_space<vmem>>, vector<16xf32>,
      %broadcast_in_dim3A_109 = arith.constant 3 : i32
      %broadcast_in_dim3A_110 = vector.broadcast %broadcast_in_dim3A_109 : i32 to vector<16xi32>
      %gather3A_111 = tpu.vector_load_idx %arg6[%get3A_83, %broadcast_in_dim3A_110] : memref<1024x16xf32, #tpu.memory_space<vmem>>[vector<16xi32>, vector<16xi32>], vector<16xf32>,
      %mul3A_112 = arith.constant 16 : i32
      %mul3A_113 = arith.muli %scan3A_49, %mul3A_112 : i32
      %swap3A_114 = arith.constant 3 : i32
      %swap3A_115 = arith.index_cast %swap3A_114 : i32 to index
      %swap3A_116 = arith.index_cast %mul3A_113 : i32 to index
      %swap3A_117 = tpu.vector_load %arg8[%swap3A_115, %swap3A_116] {strides = array<i32>} : memref<5x1024xf32, #tpu.memory_space<vmem>>, vector<16xf32>,
      tpu.vector_store %arg8[%swap3A_115, %swap3A_116], %gather3A_111 {strides = array<i32>} : memref<5x1024xf32, #tpu.memory_space<vmem>>, vector<16xf32>,
      %broadcast_in_dim3A_118 = arith.constant 4 : i32
      %broadcast_in_dim3A_119 = vector.broadcast %broadcast_in_dim3A_118 : i32 to vector<16xi32>
      %gather3A_120 = tpu.vector_load_idx %arg6[%get3A_83, %broadcast_in_dim3A_119] : memref<1024x16xf32, #tpu.memory_space<vmem>>[vector<16xi32>, vector<16xi32>], vector<16xf32>,
      %mul3A_121 = arith.constant 16 : i32
      %mul3A_122 = arith.muli %scan3A_49, %mul3A_121 : i32
      %swap3A_123 = arith.constant 4 : i32
      %swap3A_124 = arith.index_cast %swap3A_123 : i32 to index
      %swap3A_125 = arith.index_cast %mul3A_122 : i32 to index
      %swap3A_126 = tpu.vector_load %arg8[%swap3A_124, %swap3A_125] {strides = array<i32>} : memref<5x1024xf32, #tpu.memory_space<vmem>>, vector<16xf32>,
      tpu.vector_store %arg8[%swap3A_124, %swap3A_125], %gather3A_120 {strides = array<i32>} : memref<5x1024xf32, #tpu.memory_space<vmem>>, vector<16xf32>,
    }
    %scan3A_38 = arith.constant 64 : i32
    %run_scoped3A_39 = arith.constant 0 : i32
    %run_scoped3A_40 = arith.constant 0 : i32
    "tpu.region"() ({
      %run_scoped3A_49 = tpu.sem_alloc : memref<!tpu.dma_semaphore, #tpu.memory_space<semaphore_mem>>
      %dma_start3A = arith.constant 0 : i32
      %dma_start3A_50 = tpu.memref_slice %arg8[%run_scoped3A_39, %dma_start3A] : memref<5x1024xf32, #tpu.memory_space<vmem>> -> memref<1x1024xf32, #tpu.memory_space<vmem>>
      %dma_start3A_51 = tpu.memref_squeeze %dma_start3A_50 : memref<1x1024xf32, #tpu.memory_space<vmem>> -> memref<1024xf32, #tpu.memory_space<vmem>>
      %dma_start3A_52 = tpu.memref_slice %arg4[%run_scoped3A_40, %mul3A_0] : memref<8x16384xf32, #tpu.memory_space<hbm>> -> memref<1x1024xf32, #tpu.memory_space<hbm>>
      %dma_start3A_53 = tpu.memref_squeeze %dma_start3A_52 : memref<1x1024xf32, #tpu.memory_space<hbm>> -> memref<1024xf32, #tpu.memory_space<hbm>>
      %dma_start3A_54 = tpu.memref_slice %arg4[%run_scoped3A_40, %mul3A_0] : memref<8x16384xf32, #tpu.memory_space<hbm>> -> memref<1x1024xf32, #tpu.memory_space<hbm>>
      %dma_start3A_55 = tpu.memref_squeeze %dma_start3A_54 : memref<1x1024xf32, #tpu.memory_space<hbm>> -> memref<1024xf32, #tpu.memory_space<hbm>>
      %dma_start3A_56 = arith.constant 0 : i32
      %dma_start3A_57 = tpu.memref_slice %arg8[%run_scoped3A_39, %dma_start3A_56] : memref<5x1024xf32, #tpu.memory_space<vmem>> -> memref<1x1024xf32, #tpu.memory_space<vmem>>
      %dma_start3A_58 = tpu.memref_squeeze %dma_start3A_57 : memref<1x1024xf32, #tpu.memory_space<vmem>> -> memref<1024xf32, #tpu.memory_space<vmem>>
      tpu.enqueue_dma source(%dma_start3A_58 : memref<1024xf32, #tpu.memory_space<vmem>>) target(%dma_start3A_55 : memref<1024xf32, #tpu.memory_space<hbm>>) target_semaphore(%run_scoped3A_49 : memref<!tpu.dma_semaphore, #tpu.memory_space<semaphore_mem>>)
      %dma_wait3A = arith.constant 0 : i32
      %dma_wait3A_59 = tpu.memref_slice %arg8[%run_scoped3A_39, %dma_wait3A] : memref<5x1024xf32, #tpu.memory_space<vmem>> -> memref<1x1024xf32, #tpu.memory_space<vmem>>
      %dma_wait3A_60 = tpu.memref_squeeze %dma_wait3A_59 : memref<1x1024xf32, #tpu.memory_space<vmem>> -> memref<1024xf32, #tpu.memory_space<vmem>>
      %dma_wait3A_61 = tpu.memref_slice %arg4[%run_scoped3A_40, %mul3A_0] : memref<8x16384xf32, #tpu.memory_space<hbm>> -> memref<1x1024xf32, #tpu.memory_space<hbm>>
      %dma_wait3A_62 = tpu.memref_squeeze %dma_wait3A_61 : memref<1x1024xf32, #tpu.memory_space<hbm>> -> memref<1024xf32, #tpu.memory_space<hbm>>
      %dma_wait3A_63 = tpu.memref_slice %arg4[%run_scoped3A_40, %mul3A_0] : memref<8x16384xf32, #tpu.memory_space<hbm>> -> memref<1x1024xf32, #tpu.memory_space<hbm>>
      %dma_wait3A_64 = tpu.memref_squeeze %dma_wait3A_63 : memref<1x1024xf32, #tpu.memory_space<hbm>> -> memref<1024xf32, #tpu.memory_space<hbm>>
      %dma_wait3A_65 = arith.constant 0 : i32
      %dma_wait3A_66 = tpu.memref_slice %arg8[%run_scoped3A_39, %dma_wait3A_65] : memref<5x1024xf32, #tpu.memory_space<vmem>> -> memref<1x1024xf32, #tpu.memory_space<vmem>>
      %dma_wait3A_67 = tpu.memref_squeeze %dma_wait3A_66 : memref<1x1024xf32, #tpu.memory_space<vmem>> -> memref<1024xf32, #tpu.memory_space<vmem>>
      tpu.wait_dma2 semaphore(%run_scoped3A_49 : memref<!tpu.dma_semaphore, #tpu.memory_space<semaphore_mem>>) src(%dma_wait3A_67 : memref<1024xf32, #tpu.memory_space<vmem>>) dst(%dma_wait3A_64 : memref<1024xf32, #tpu.memory_space<hbm>>)
      tpu.yield
    }) : () -> ()
    %run_scoped3A_41 = arith.constant 1 : i32
    %run_scoped3A_42 = arith.constant 1 : i32
    "tpu.region"() ({
      %run_scoped3A_49 = tpu.sem_alloc : memref<!tpu.dma_semaphore, #tpu.memory_space<semaphore_mem>>
      %dma_start3A = arith.constant 0 : i32
      %dma_start3A_50 = tpu.memref_slice %arg8[%run_scoped3A_41, %dma_start3A] : memref<5x1024xf32, #tpu.memory_space<vmem>> -> memref<1x1024xf32, #tpu.memory_space<vmem>>
      %dma_start3A_51 = tpu.memref_squeeze %dma_start3A_50 : memref<1x1024xf32, #tpu.memory_space<vmem>> -> memref<1024xf32, #tpu.memory_space<vmem>>
      %dma_start3A_52 = tpu.memref_slice %arg4[%run_scoped3A_42, %mul3A_0] : memref<8x16384xf32, #tpu.memory_space<hbm>> -> memref<1x1024xf32, #tpu.memory_space<hbm>>
      %dma_start3A_53 = tpu.memref_squeeze %dma_start3A_52 : memref<1x1024xf32, #tpu.memory_space<hbm>> -> memref<1024xf32, #tpu.memory_space<hbm>>
      %dma_start3A_54 = tpu.memref_slice %arg4[%run_scoped3A_42, %mul3A_0] : memref<8x16384xf32, #tpu.memory_space<hbm>> -> memref<1x1024xf32, #tpu.memory_space<hbm>>
      %dma_start3A_55 = tpu.memref_squeeze %dma_start3A_54 : memref<1x1024xf32, #tpu.memory_space<hbm>> -> memref<1024xf32, #tpu.memory_space<hbm>>
      %dma_start3A_56 = arith.constant 0 : i32
      %dma_start3A_57 = tpu.memref_slice %arg8[%run_scoped3A_41, %dma_start3A_56] : memref<5x1024xf32, #tpu.memory_space<vmem>> -> memref<1x1024xf32, #tpu.memory_space<vmem>>
      %dma_start3A_58 = tpu.memref_squeeze %dma_start3A_57 : memref<1x1024xf32, #tpu.memory_space<vmem>> -> memref<1024xf32, #tpu.memory_space<vmem>>
      tpu.enqueue_dma source(%dma_start3A_58 : memref<1024xf32, #tpu.memory_space<vmem>>) target(%dma_start3A_55 : memref<1024xf32, #tpu.memory_space<hbm>>) target_semaphore(%run_scoped3A_49 : memref<!tpu.dma_semaphore, #tpu.memory_space<semaphore_mem>>)
      %dma_wait3A = arith.constant 0 : i32
      %dma_wait3A_59 = tpu.memref_slice %arg8[%run_scoped3A_41, %dma_wait3A] : memref<5x1024xf32, #tpu.memory_space<vmem>> -> memref<1x1024xf32, #tpu.memory_space<vmem>>
      %dma_wait3A_60 = tpu.memref_squeeze %dma_wait3A_59 : memref<1x1024xf32, #tpu.memory_space<vmem>> -> memref<1024xf32, #tpu.memory_space<vmem>>
      %dma_wait3A_61 = tpu.memref_slice %arg4[%run_scoped3A_42, %mul3A_0] : memref<8x16384xf32, #tpu.memory_space<hbm>> -> memref<1x1024xf32, #tpu.memory_space<hbm>>
      %dma_wait3A_62 = tpu.memref_squeeze %dma_wait3A_61 : memref<1x1024xf32, #tpu.memory_space<hbm>> -> memref<1024xf32, #tpu.memory_space<hbm>>
      %dma_wait3A_63 = tpu.memref_slice %arg4[%run_scoped3A_42, %mul3A_0] : memref<8x16384xf32, #tpu.memory_space<hbm>> -> memref<1x1024xf32, #tpu.memory_space<hbm>>
      %dma_wait3A_64 = tpu.memref_squeeze %dma_wait3A_63 : memref<1x1024xf32, #tpu.memory_space<hbm>> -> memref<1024xf32, #tpu.memory_space<hbm>>
      %dma_wait3A_65 = arith.constant 0 : i32
      %dma_wait3A_66 = tpu.memref_slice %arg8[%run_scoped3A_41, %dma_wait3A_65] : memref<5x1024xf32, #tpu.memory_space<vmem>> -> memref<1x1024xf32, #tpu.memory_space<vmem>>
      %dma_wait3A_67 = tpu.memref_squeeze %dma_wait3A_66 : memref<1x1024xf32, #tpu.memory_space<vmem>> -> memref<1024xf32, #tpu.memory_space<vmem>>
      tpu.wait_dma2 semaphore(%run_scoped3A_49 : memref<!tpu.dma_semaphore, #tpu.memory_space<semaphore_mem>>) src(%dma_wait3A_67 : memref<1024xf32, #tpu.memory_space<vmem>>) dst(%dma_wait3A_64 : memref<1024xf32, #tpu.memory_space<hbm>>)
      tpu.yield
    }) : () -> ()
    %run_scoped3A_43 = arith.constant 2 : i32
    %run_scoped3A_44 = arith.constant 2 : i32
    "tpu.region"() ({
      %run_scoped3A_49 = tpu.sem_alloc : memref<!tpu.dma_semaphore, #tpu.memory_space<semaphore_mem>>
      %dma_start3A = arith.constant 0 : i32
      %dma_start3A_50 = tpu.memref_slice %arg8[%run_scoped3A_43, %dma_start3A] : memref<5x1024xf32, #tpu.memory_space<vmem>> -> memref<1x1024xf32, #tpu.memory_space<vmem>>
      %dma_start3A_51 = tpu.memref_squeeze %dma_start3A_50 : memref<1x1024xf32, #tpu.memory_space<vmem>> -> memref<1024xf32, #tpu.memory_space<vmem>>
      %dma_start3A_52 = tpu.memref_slice %arg4[%run_scoped3A_44, %mul3A_0] : memref<8x16384xf32, #tpu.memory_space<hbm>> -> memref<1x1024xf32, #tpu.memory_space<hbm>>
      %dma_start3A_53 = tpu.memref_squeeze %dma_start3A_52 : memref<1x1024xf32, #tpu.memory_space<hbm>> -> memref<1024xf32, #tpu.memory_space<hbm>>
      %dma_start3A_54 = tpu.memref_slice %arg4[%run_scoped3A_44, %mul3A_0] : memref<8x16384xf32, #tpu.memory_space<hbm>> -> memref<1x1024xf32, #tpu.memory_space<hbm>>
      %dma_start3A_55 = tpu.memref_squeeze %dma_start3A_54 : memref<1x1024xf32, #tpu.memory_space<hbm>> -> memref<1024xf32, #tpu.memory_space<hbm>>
      %dma_start3A_56 = arith.constant 0 : i32
      %dma_start3A_57 = tpu.memref_slice %arg8[%run_scoped3A_43, %dma_start3A_56] : memref<5x1024xf32, #tpu.memory_space<vmem>> -> memref<1x1024xf32, #tpu.memory_space<vmem>>
      %dma_start3A_58 = tpu.memref_squeeze %dma_start3A_57 : memref<1x1024xf32, #tpu.memory_space<vmem>> -> memref<1024xf32, #tpu.memory_space<vmem>>
      tpu.enqueue_dma source(%dma_start3A_58 : memref<1024xf32, #tpu.memory_space<vmem>>) target(%dma_start3A_55 : memref<1024xf32, #tpu.memory_space<hbm>>) target_semaphore(%run_scoped3A_49 : memref<!tpu.dma_semaphore, #tpu.memory_space<semaphore_mem>>)
      %dma_wait3A = arith.constant 0 : i32
      %dma_wait3A_59 = tpu.memref_slice %arg8[%run_scoped3A_43, %dma_wait3A] : memref<5x1024xf32, #tpu.memory_space<vmem>> -> memref<1x1024xf32, #tpu.memory_space<vmem>>
      %dma_wait3A_60 = tpu.memref_squeeze %dma_wait3A_59 : memref<1x1024xf32, #tpu.memory_space<vmem>> -> memref<1024xf32, #tpu.memory_space<vmem>>
      %dma_wait3A_61 = tpu.memref_slice %arg4[%run_scoped3A_44, %mul3A_0] : memref<8x16384xf32, #tpu.memory_space<hbm>> -> memref<1x1024xf32, #tpu.memory_space<hbm>>
      %dma_wait3A_62 = tpu.memref_squeeze %dma_wait3A_61 : memref<1x1024xf32, #tpu.memory_space<hbm>> -> memref<1024xf32, #tpu.memory_space<hbm>>
      %dma_wait3A_63 = tpu.memref_slice %arg4[%run_scoped3A_44, %mul3A_0] : memref<8x16384xf32, #tpu.memory_space<hbm>> -> memref<1x1024xf32, #tpu.memory_space<hbm>>
      %dma_wait3A_64 = tpu.memref_squeeze %dma_wait3A_63 : memref<1x1024xf32, #tpu.memory_space<hbm>> -> memref<1024xf32, #tpu.memory_space<hbm>>
      %dma_wait3A_65 = arith.constant 0 : i32
      %dma_wait3A_66 = tpu.memref_slice %arg8[%run_scoped3A_43, %dma_wait3A_65] : memref<5x1024xf32, #tpu.memory_space<vmem>> -> memref<1x1024xf32, #tpu.memory_space<vmem>>
      %dma_wait3A_67 = tpu.memref_squeeze %dma_wait3A_66 : memref<1x1024xf32, #tpu.memory_space<vmem>> -> memref<1024xf32, #tpu.memory_space<vmem>>
      tpu.wait_dma2 semaphore(%run_scoped3A_49 : memref<!tpu.dma_semaphore, #tpu.memory_space<semaphore_mem>>) src(%dma_wait3A_67 : memref<1024xf32, #tpu.memory_space<vmem>>) dst(%dma_wait3A_64 : memref<1024xf32, #tpu.memory_space<hbm>>)
      tpu.yield
    }) : () -> ()
    %run_scoped3A_45 = arith.constant 3 : i32
    %run_scoped3A_46 = arith.constant 3 : i32
    "tpu.region"() ({
      %run_scoped3A_49 = tpu.sem_alloc : memref<!tpu.dma_semaphore, #tpu.memory_space<semaphore_mem>>
      %dma_start3A = arith.constant 0 : i32
      %dma_start3A_50 = tpu.memref_slice %arg8[%run_scoped3A_45, %dma_start3A] : memref<5x1024xf32, #tpu.memory_space<vmem>> -> memref<1x1024xf32, #tpu.memory_space<vmem>>
      %dma_start3A_51 = tpu.memref_squeeze %dma_start3A_50 : memref<1x1024xf32, #tpu.memory_space<vmem>> -> memref<1024xf32, #tpu.memory_space<vmem>>
      %dma_start3A_52 = tpu.memref_slice %arg4[%run_scoped3A_46, %mul3A_0] : memref<8x16384xf32, #tpu.memory_space<hbm>> -> memref<1x1024xf32, #tpu.memory_space<hbm>>
      %dma_start3A_53 = tpu.memref_squeeze %dma_start3A_52 : memref<1x1024xf32, #tpu.memory_space<hbm>> -> memref<1024xf32, #tpu.memory_space<hbm>>
      %dma_start3A_54 = tpu.memref_slice %arg4[%run_scoped3A_46, %mul3A_0] : memref<8x16384xf32, #tpu.memory_space<hbm>> -> memref<1x1024xf32, #tpu.memory_space<hbm>>
      %dma_start3A_55 = tpu.memref_squeeze %dma_start3A_54 : memref<1x1024xf32, #tpu.memory_space<hbm>> -> memref<1024xf32, #tpu.memory_space<hbm>>
      %dma_start3A_56 = arith.constant 0 : i32
      %dma_start3A_57 = tpu.memref_slice %arg8[%run_scoped3A_45, %dma_start3A_56] : memref<5x1024xf32, #tpu.memory_space<vmem>> -> memref<1x1024xf32, #tpu.memory_space<vmem>>
      %dma_start3A_58 = tpu.memref_squeeze %dma_start3A_57 : memref<1x1024xf32, #tpu.memory_space<vmem>> -> memref<1024xf32, #tpu.memory_space<vmem>>
      tpu.enqueue_dma source(%dma_start3A_58 : memref<1024xf32, #tpu.memory_space<vmem>>) target(%dma_start3A_55 : memref<1024xf32, #tpu.memory_space<hbm>>) target_semaphore(%run_scoped3A_49 : memref<!tpu.dma_semaphore, #tpu.memory_space<semaphore_mem>>)
      %dma_wait3A = arith.constant 0 : i32
      %dma_wait3A_59 = tpu.memref_slice %arg8[%run_scoped3A_45, %dma_wait3A] : memref<5x1024xf32, #tpu.memory_space<vmem>> -> memref<1x1024xf32, #tpu.memory_space<vmem>>
      %dma_wait3A_60 = tpu.memref_squeeze %dma_wait3A_59 : memref<1x1024xf32, #tpu.memory_space<vmem>> -> memref<1024xf32, #tpu.memory_space<vmem>>
      %dma_wait3A_61 = tpu.memref_slice %arg4[%run_scoped3A_46, %mul3A_0] : memref<8x16384xf32, #tpu.memory_space<hbm>> -> memref<1x1024xf32, #tpu.memory_space<hbm>>
      %dma_wait3A_62 = tpu.memref_squeeze %dma_wait3A_61 : memref<1x1024xf32, #tpu.memory_space<hbm>> -> memref<1024xf32, #tpu.memory_space<hbm>>
      %dma_wait3A_63 = tpu.memref_slice %arg4[%run_scoped3A_46, %mul3A_0] : memref<8x16384xf32, #tpu.memory_space<hbm>> -> memref<1x1024xf32, #tpu.memory_space<hbm>>
      %dma_wait3A_64 = tpu.memref_squeeze %dma_wait3A_63 : memref<1x1024xf32, #tpu.memory_space<hbm>> -> memref<1024xf32, #tpu.memory_space<hbm>>
      %dma_wait3A_65 = arith.constant 0 : i32
      %dma_wait3A_66 = tpu.memref_slice %arg8[%run_scoped3A_45, %dma_wait3A_65] : memref<5x1024xf32, #tpu.memory_space<vmem>> -> memref<1x1024xf32, #tpu.memory_space<vmem>>
      %dma_wait3A_67 = tpu.memref_squeeze %dma_wait3A_66 : memref<1x1024xf32, #tpu.memory_space<vmem>> -> memref<1024xf32, #tpu.memory_space<vmem>>
      tpu.wait_dma2 semaphore(%run_scoped3A_49 : memref<!tpu.dma_semaphore, #tpu.memory_space<semaphore_mem>>) src(%dma_wait3A_67 : memref<1024xf32, #tpu.memory_space<vmem>>) dst(%dma_wait3A_64 : memref<1024xf32, #tpu.memory_space<hbm>>)
      tpu.yield
    }) : () -> ()
    %run_scoped3A_47 = arith.constant 4 : i32
    %run_scoped3A_48 = arith.constant 4 : i32
    "tpu.region"() ({
      %run_scoped3A_49 = tpu.sem_alloc : memref<!tpu.dma_semaphore, #tpu.memory_space<semaphore_mem>>
      %dma_start3A = arith.constant 0 : i32
      %dma_start3A_50 = tpu.memref_slice %arg8[%run_scoped3A_47, %dma_start3A] : memref<5x1024xf32, #tpu.memory_space<vmem>> -> memref<1x1024xf32, #tpu.memory_space<vmem>>
      %dma_start3A_51 = tpu.memref_squeeze %dma_start3A_50 : memref<1x1024xf32, #tpu.memory_space<vmem>> -> memref<1024xf32, #tpu.memory_space<vmem>>
      %dma_start3A_52 = tpu.memref_slice %arg4[%run_scoped3A_48, %mul3A_0] : memref<8x16384xf32, #tpu.memory_space<hbm>> -> memref<1x1024xf32, #tpu.memory_space<hbm>>
      %dma_start3A_53 = tpu.memref_squeeze %dma_start3A_52 : memref<1x1024xf32, #tpu.memory_space<hbm>> -> memref<1024xf32, #tpu.memory_space<hbm>>
      %dma_start3A_54 = tpu.memref_slice %arg4[%run_scoped3A_48, %mul3A_0] : memref<8x16384xf32, #tpu.memory_space<hbm>> -> memref<1x1024xf32, #tpu.memory_space<hbm>>
      %dma_start3A_55 = tpu.memref_squeeze %dma_start3A_54 : memref<1x1024xf32, #tpu.memory_space<hbm>> -> memref<1024xf32, #tpu.memory_space<hbm>>
      %dma_start3A_56 = arith.constant 0 : i32
      %dma_start3A_57 = tpu.memref_slice %arg8[%run_scoped3A_47, %dma_start3A_56] : memref<5x1024xf32, #tpu.memory_space<vmem>> -> memref<1x1024xf32, #tpu.memory_space<vmem>>
      %dma_start3A_58 = tpu.memref_squeeze %dma_start3A_57 : memref<1x1024xf32, #tpu.memory_space<vmem>> -> memref<1024xf32, #tpu.memory_space<vmem>>
      tpu.enqueue_dma source(%dma_start3A_58 : memref<1024xf32, #tpu.memory_space<vmem>>) target(%dma_start3A_55 : memref<1024xf32, #tpu.memory_space<hbm>>) target_semaphore(%run_scoped3A_49 : memref<!tpu.dma_semaphore, #tpu.memory_space<semaphore_mem>>)
      %dma_wait3A = arith.constant 0 : i32
      %dma_wait3A_59 = tpu.memref_slice %arg8[%run_scoped3A_47, %dma_wait3A] : memref<5x1024xf32, #tpu.memory_space<vmem>> -> memref<1x1024xf32, #tpu.memory_space<vmem>>
      %dma_wait3A_60 = tpu.memref_squeeze %dma_wait3A_59 : memref<1x1024xf32, #tpu.memory_space<vmem>> -> memref<1024xf32, #tpu.memory_space<vmem>>
      %dma_wait3A_61 = tpu.memref_slice %arg4[%run_scoped3A_48, %mul3A_0] : memref<8x16384xf32, #tpu.memory_space<hbm>> -> memref<1x1024xf32, #tpu.memory_space<hbm>>
      %dma_wait3A_62 = tpu.memref_squeeze %dma_wait3A_61 : memref<1x1024xf32, #tpu.memory_space<hbm>> -> memref<1024xf32, #tpu.memory_space<hbm>>
      %dma_wait3A_63 = tpu.memref_slice %arg4[%run_scoped3A_48, %mul3A_0] : memref<8x16384xf32, #tpu.memory_space<hbm>> -> memref<1x1024xf32, #tpu.memory_space<hbm>>
      %dma_wait3A_64 = tpu.memref_squeeze %dma_wait3A_63 : memref<1x1024xf32, #tpu.memory_space<hbm>> -> memref<1024xf32, #tpu.memory_space<hbm>>
      %dma_wait3A_65 = arith.constant 0 : i32
      %dma_wait3A_66 = tpu.memref_slice %arg8[%run_scoped3A_47, %dma_wait3A_65] : memref<5x1024xf32, #tpu.memory_space<vmem>> -> memref<1x1024xf32, #tpu.memory_space<vmem>>
      %dma_wait3A_67 = tpu.memref_squeeze %dma_wait3A_66 : memref<1x1024xf32, #tpu.memory_space<vmem>> -> memref<1024xf32, #tpu.memory_space<vmem>>
      tpu.wait_dma2 semaphore(%run_scoped3A_49 : memref<!tpu.dma_semaphore, #tpu.memory_space<semaphore_mem>>) src(%dma_wait3A_67 : memref<1024xf32, #tpu.memory_space<vmem>>) dst(%dma_wait3A_64 : memref<1024xf32, #tpu.memory_space<hbm>>)
      tpu.yield
    }) : () -> ()
    return
  }
}

module attributes {stable_mosaic.version = 14 : i64} {
  func.func @_tc_pack_body(%arg0: i32, %arg1: memref<8192x126xf32, #tpu.memory_space<vmem>>, %arg2: memref<1x26xf32, #tpu.memory_space<vmem>>, %arg3: memref<1x100xf32, #tpu.memory_space<vmem>>, %arg4: memref<8192x16xf32, #tpu.memory_space<vmem>>, %arg5: memref<126x16xf32, #tpu.memory_space<vmem>>, %arg6: memref<1x16xf32, #tpu.memory_space<vmem>>) attributes {dimension_semantics = [#tpu.dimension_semantics<arbitrary>], iteration_bounds = array<i64: 2>, scalar_prefetch = 0 : i64, scratch_operands = 2 : i64, tpu.core_type = #tpu.core_type<tc>, window_params = [{transform_indices = @transform_0, window_bounds = array<i64: 8192, 126>}, {pipeline_mode = #tpu.pipeline_mode<synchronous>, transform_indices = @transform_1, window_bounds = array<i64: 1, 26>}, {pipeline_mode = #tpu.pipeline_mode<synchronous>, transform_indices = @transform_2, window_bounds = array<i64: 1, 100>}, {transform_indices = @transform_3, window_bounds = array<i64: 8192, 16>}]} {
    %eq3A = arith.constant 0 : i32
    %eq3A_0 = arith.cmpi eq, %arg0, %eq3A : i32
    %convert_element_type3A = arith.extui %eq3A_0 : i1 to i32
    %cond3A = arith.constant 0 : i32
    %cond3A_1 = arith.cmpi ne, %convert_element_type3A, %cond3A : i32
    scf.if %cond3A_1 {
      %get3A_14 = arith.constant 0 : index
      %get3A_15 = arith.constant 0 : index
      %get3A_16 = vector.load %arg2[%get3A_14, %get3A_15] : memref<1x26xf32, #tpu.memory_space<vmem>>, vector<1x26xf32>
      %reduce_max3A = vector.shape_cast %get3A_16 : vector<1x26xf32> to vector<1x1x26xf32>
      %reduce_max3A_17 = arith.constant dense<0xFF800000> : vector<1xf32>
      %reduce_max3A_18 = vector.multi_reduction <maximumf>, %reduce_max3A, %reduce_max3A_17 [1, 2] : vector<1x1x26xf32> to vector<1xf32>
      %reduce_max3A_19 = vector.shape_cast %reduce_max3A_18 : vector<1xf32> to vector<1x1x1xf32>
      %reduce_max3A_20 = vector.extract %reduce_max3A_19[0, 0, 0] : f32 from vector<1x1x1xf32>
      %sub3A = vector.broadcast %reduce_max3A_20 : f32 to vector<1x26xf32>
      %sub3A_21 = arith.subf %get3A_16, %sub3A : vector<1x26xf32>
      %exp3A = math.exp %sub3A_21 : vector<1x26xf32>
      %reduce_sum3A = vector.shape_cast %exp3A : vector<1x26xf32> to vector<1x1x26xf32>
      %reduce_sum3A_22 = arith.constant dense<0.000000e+00> : vector<1xf32>
      %reduce_sum3A_23 = vector.multi_reduction <add>, %reduce_sum3A, %reduce_sum3A_22 [1, 2] : vector<1x1x26xf32> to vector<1xf32>
      %reduce_sum3A_24 = vector.shape_cast %reduce_sum3A_23 : vector<1xf32> to vector<1x1x1xf32>
      %reduce_sum3A_25 = vector.extract %reduce_sum3A_24[0, 0, 0] : f32 from vector<1x1x1xf32>
      %div3A = vector.broadcast %reduce_sum3A_25 : f32 to vector<1x26xf32>
      %div3A_26 = arith.divf %exp3A, %div3A : vector<1x26xf32>
      %reduce_max3A_27 = vector.shape_cast %div3A_26 : vector<1x26xf32> to vector<1x1x26xf32>
      %reduce_max3A_28 = arith.constant dense<0xFF800000> : vector<1xf32>
      %reduce_max3A_29 = vector.multi_reduction <maximumf>, %reduce_max3A_27, %reduce_max3A_28 [1, 2] : vector<1x1x26xf32> to vector<1xf32>
      %reduce_max3A_30 = vector.shape_cast %reduce_max3A_29 : vector<1xf32> to vector<1x1x1xf32>
      %reduce_max3A_31 = vector.extract %reduce_max3A_30[0, 0, 0] : f32 from vector<1x1x1xf32>
      %iota3A = tpu.iota {dimensions = array<i32: 1>} : vector<1x26xi32>
      %ge3A = vector.broadcast %reduce_max3A_31 : f32 to vector<1x26xf32>
      %ge3A_32 = arith.cmpf oge, %div3A_26, %ge3A : vector<1x26xf32>
      %jit3A = arith.constant 26 : i32
      %broadcast_in_dim3A = vector.broadcast %jit3A : i32 to vector<1x26xi32>
      %select_n3A = arith.select %ge3A_32, %iota3A, %broadcast_in_dim3A : vector<1x26xi1>, vector<1x26xi32>
      %reduce_min3A = vector.shape_cast %select_n3A : vector<1x26xi32> to vector<1x1x26xi32>
      %reduce_min3A_33 = arith.constant dense<2147483647> : vector<1xi32>
      %reduce_min3A_34 = vector.multi_reduction <minsi>, %reduce_min3A, %reduce_min3A_33 [1, 2] : vector<1x1x26xi32> to vector<1xi32>
      %reduce_min3A_35 = vector.shape_cast %reduce_min3A_34 : vector<1xi32> to vector<1x1x1xi32>
      %reduce_min3A_36 = vector.extract %reduce_min3A_35[0, 0, 0] : i32 from vector<1x1x1xi32>
      %iota3A_37 = tpu.iota {dimensions = array<i32: 1>} : vector<1x16xi32>
      %eq3A_38 = arith.constant 5 : i32
      %eq3A_39 = vector.broadcast %eq3A_38 : i32 to vector<1x16xi32>
      %eq3A_40 = arith.cmpi eq, %iota3A_37, %eq3A_39 : vector<1x16xi32>
      %convert_element_type3A_41 = arith.extui %eq3A_40 : vector<1x16xi1> to vector<1x16xi32>
      %convert_element_type3A_42 = arith.sitofp %convert_element_type3A_41 : vector<1x16xi32> to vector<1x16xf32>
      %eq3A_43 = arith.constant 6 : i32
      %eq3A_44 = vector.broadcast %eq3A_43 : i32 to vector<1x16xi32>
      %eq3A_45 = arith.cmpi eq, %iota3A_37, %eq3A_44 : vector<1x16xi32>
      %convert_element_type3A_46 = arith.extui %eq3A_45 : vector<1x16xi1> to vector<1x16xi32>
      %convert_element_type3A_47 = arith.sitofp %convert_element_type3A_46 : vector<1x16xi32> to vector<1x16xf32>
      %convert_element_type3A_48 = arith.sitofp %reduce_min3A_36 : i32 to f32
      %mul3A = vector.broadcast %convert_element_type3A_48 : f32 to vector<1x16xf32>
      %mul3A_49 = arith.mulf %convert_element_type3A_47, %mul3A : vector<1x16xf32>
      %add3A_50 = arith.addf %convert_element_type3A_42, %mul3A_49 : vector<1x16xf32>
      %swap3A_51 = arith.constant 0 : index
      %swap3A_52 = arith.constant 0 : index
      %swap3A_53 = vector.load %arg6[%swap3A_51, %swap3A_52] : memref<1x16xf32, #tpu.memory_space<vmem>>, vector<1x16xf32>
      tpu.vector_store %arg6[%swap3A_51, %swap3A_52], %add3A_50 {strides = array<i32>} : memref<1x16xf32, #tpu.memory_space<vmem>>, vector<1x16xf32>,
      %get3A_54 = arith.constant 0 : index
      %get3A_55 = arith.constant 0 : index
      %get3A_56 = vector.load %arg3[%get3A_54, %get3A_55] : memref<1x100xf32, #tpu.memory_space<vmem>>, vector<1x100xf32>
      %reduce_max3A_57 = vector.shape_cast %get3A_56 : vector<1x100xf32> to vector<1x1x100xf32>
      %reduce_max3A_58 = arith.constant dense<0xFF800000> : vector<1xf32>
      %reduce_max3A_59 = vector.multi_reduction <maximumf>, %reduce_max3A_57, %reduce_max3A_58 [1, 2] : vector<1x1x100xf32> to vector<1xf32>
      %reduce_max3A_60 = vector.shape_cast %reduce_max3A_59 : vector<1xf32> to vector<1x1x1xf32>
      %reduce_max3A_61 = vector.extract %reduce_max3A_60[0, 0, 0] : f32 from vector<1x1x1xf32>
      %sub3A_62 = vector.broadcast %reduce_max3A_61 : f32 to vector<1x100xf32>
      %sub3A_63 = arith.subf %get3A_56, %sub3A_62 : vector<1x100xf32>
      %exp3A_64 = math.exp %sub3A_63 : vector<1x100xf32>
      %reduce_sum3A_65 = vector.shape_cast %exp3A_64 : vector<1x100xf32> to vector<1x1x100xf32>
      %reduce_sum3A_66 = arith.constant dense<0.000000e+00> : vector<1xf32>
      %reduce_sum3A_67 = vector.multi_reduction <add>, %reduce_sum3A_65, %reduce_sum3A_66 [1, 2] : vector<1x1x100xf32> to vector<1xf32>
      %reduce_sum3A_68 = vector.shape_cast %reduce_sum3A_67 : vector<1xf32> to vector<1x1x1xf32>
      %reduce_sum3A_69 = vector.extract %reduce_sum3A_68[0, 0, 0] : f32 from vector<1x1x1xf32>
      %div3A_70 = vector.broadcast %reduce_sum3A_69 : f32 to vector<1x100xf32>
      %div3A_71 = arith.divf %exp3A_64, %div3A_70 : vector<1x100xf32>
      %iota3A_72 = tpu.iota {dimensions = array<i32: 1>} : vector<1x100xi32>
      %iota3A_73 = tpu.iota {dimensions = array<i32: 0>} : vector<126x16xi32>
      %iota3A_74 = tpu.iota {dimensions = array<i32: 1>} : vector<126x16xi32>
      %broadcast_in_dim3A_75 = arith.constant 0.000000e+00 : f32
      %broadcast_in_dim3A_76 = vector.broadcast %broadcast_in_dim3A_75 : f32 to vector<126x16xf32>
      %reduce_max3A_77 = vector.shape_cast %div3A_71 : vector<1x100xf32> to vector<1x1x100xf32>
      %reduce_max3A_78 = arith.constant dense<0xFF800000> : vector<1xf32>
      %reduce_max3A_79 = vector.multi_reduction <maximumf>, %reduce_max3A_77, %reduce_max3A_78 [1, 2] : vector<1x1x100xf32> to vector<1xf32>
      %reduce_max3A_80 = vector.shape_cast %reduce_max3A_79 : vector<1xf32> to vector<1x1x1xf32>
      %reduce_max3A_81 = vector.extract %reduce_max3A_80[0, 0, 0] : f32 from vector<1x1x1xf32>
      %ge3A_82 = vector.broadcast %reduce_max3A_81 : f32 to vector<1x100xf32>
      %ge3A_83 = arith.cmpf oge, %div3A_71, %ge3A_82 : vector<1x100xf32>
      %jit3A_84 = arith.constant 100 : i32
      %broadcast_in_dim3A_85 = vector.broadcast %jit3A_84 : i32 to vector<1x100xi32>
      %select_n3A_86 = arith.select %ge3A_83, %iota3A_72, %broadcast_in_dim3A_85 : vector<1x100xi1>, vector<1x100xi32>
      %reduce_min3A_87 = vector.shape_cast %select_n3A_86 : vector<1x100xi32> to vector<1x1x100xi32>
      %reduce_min3A_88 = arith.constant dense<2147483647> : vector<1xi32>
      %reduce_min3A_89 = vector.multi_reduction <minsi>, %reduce_min3A_87, %reduce_min3A_88 [1, 2] : vector<1x1x100xi32> to vector<1xi32>
      %reduce_min3A_90 = vector.shape_cast %reduce_min3A_89 : vector<1xi32> to vector<1x1x1xi32>
      %reduce_min3A_91 = vector.extract %reduce_min3A_90[0, 0, 0] : i32 from vector<1x1x1xi32>
      %add3A_92 = arith.addf %reduce_max3A_81, %reduce_max3A_31 : f32
      %mul3A_93 = arith.constant 5.000000e-01 : f32
      %mul3A_94 = arith.mulf %add3A_92, %mul3A_93 : f32
      %add3A_95 = arith.constant 26 : i32
      %add3A_96 = arith.addi %reduce_min3A_91, %add3A_95 : i32
      %eq3A_97 = vector.broadcast %add3A_96 : i32 to vector<126x16xi32>
      %eq3A_98 = arith.cmpi eq, %iota3A_73, %eq3A_97 : vector<126x16xi32>
      %eq3A_99 = arith.constant 0 : i32
      %eq3A_100 = vector.broadcast %eq3A_99 : i32 to vector<126x16xi32>
      %eq3A_101 = arith.cmpi eq, %iota3A_74, %eq3A_100 : vector<126x16xi32>
      %and3A = arith.andi %eq3A_98, %eq3A_101 : vector<126x16xi1>
      %convert_element_type3A_102 = arith.extui %and3A : vector<126x16xi1> to vector<126x16xi32>
      %convert_element_type3A_103 = arith.sitofp %convert_element_type3A_102 : vector<126x16xi32> to vector<126x16xf32>
      %mul3A_104 = vector.broadcast %mul3A_94 : f32 to vector<126x16xf32>
      %mul3A_105 = arith.mulf %convert_element_type3A_103, %mul3A_104 : vector<126x16xf32>
      %add3A_106 = arith.addf %broadcast_in_dim3A_76, %mul3A_105 : vector<126x16xf32>
      %eq3A_107 = vector.broadcast %reduce_min3A_91 : i32 to vector<1x100xi32>
      %eq3A_108 = arith.cmpi eq, %iota3A_72, %eq3A_107 : vector<1x100xi32>
      %jit3A_109 = arith.constant -1.000000e+00 : f32
      %broadcast_in_dim3A_110 = vector.broadcast %jit3A_109 : f32 to vector<1x100xf32>
      %select_n3A_111 = arith.select %eq3A_108, %broadcast_in_dim3A_110, %div3A_71 : vector<1x100xi1>, vector<1x100xf32>
      %reduce_max3A_112 = vector.shape_cast %select_n3A_111 : vector<1x100xf32> to vector<1x1x100xf32>
      %reduce_max3A_113 = arith.constant dense<0xFF800000> : vector<1xf32>
      %reduce_max3A_114 = vector.multi_reduction <maximumf>, %reduce_max3A_112, %reduce_max3A_113 [1, 2] : vector<1x1x100xf32> to vector<1xf32>
      %reduce_max3A_115 = vector.shape_cast %reduce_max3A_114 : vector<1xf32> to vector<1x1x1xf32>
      %reduce_max3A_116 = vector.extract %reduce_max3A_115[0, 0, 0] : f32 from vector<1x1x1xf32>
      %ge3A_117 = vector.broadcast %reduce_max3A_116 : f32 to vector<1x100xf32>
      %ge3A_118 = arith.cmpf oge, %select_n3A_111, %ge3A_117 : vector<1x100xf32>
      %jit3A_119 = arith.constant 100 : i32
      %broadcast_in_dim3A_120 = vector.broadcast %jit3A_119 : i32 to vector<1x100xi32>
      %select_n3A_121 = arith.select %ge3A_118, %iota3A_72, %broadcast_in_dim3A_120 : vector<1x100xi1>, vector<1x100xi32>
      %reduce_min3A_122 = vector.shape_cast %select_n3A_121 : vector<1x100xi32> to vector<1x1x100xi32>
      %reduce_min3A_123 = arith.constant dense<2147483647> : vector<1xi32>
      %reduce_min3A_124 = vector.multi_reduction <minsi>, %reduce_min3A_122, %reduce_min3A_123 [1, 2] : vector<1x1x100xi32> to vector<1xi32>
      %reduce_min3A_125 = vector.shape_cast %reduce_min3A_124 : vector<1xi32> to vector<1x1x1xi32>
      %reduce_min3A_126 = vector.extract %reduce_min3A_125[0, 0, 0] : i32 from vector<1x1x1xi32>
      %add3A_127 = arith.addf %reduce_max3A_116, %reduce_max3A_31 : f32
      %mul3A_128 = arith.constant 5.000000e-01 : f32
      %mul3A_129 = arith.mulf %add3A_127, %mul3A_128 : f32
      %add3A_130 = arith.constant 26 : i32
      %add3A_131 = arith.addi %reduce_min3A_126, %add3A_130 : i32
      %eq3A_132 = vector.broadcast %add3A_131 : i32 to vector<126x16xi32>
      %eq3A_133 = arith.cmpi eq, %iota3A_73, %eq3A_132 : vector<126x16xi32>
      %eq3A_134 = arith.constant 1 : i32
      %eq3A_135 = vector.broadcast %eq3A_134 : i32 to vector<126x16xi32>
      %eq3A_136 = arith.cmpi eq, %iota3A_74, %eq3A_135 : vector<126x16xi32>
      %and3A_137 = arith.andi %eq3A_133, %eq3A_136 : vector<126x16xi1>
      %convert_element_type3A_138 = arith.extui %and3A_137 : vector<126x16xi1> to vector<126x16xi32>
      %convert_element_type3A_139 = arith.sitofp %convert_element_type3A_138 : vector<126x16xi32> to vector<126x16xf32>
      %mul3A_140 = vector.broadcast %mul3A_129 : f32 to vector<126x16xf32>
      %mul3A_141 = arith.mulf %convert_element_type3A_139, %mul3A_140 : vector<126x16xf32>
      %add3A_142 = arith.addf %add3A_106, %mul3A_141 : vector<126x16xf32>
      %eq3A_143 = vector.broadcast %reduce_min3A_126 : i32 to vector<1x100xi32>
      %eq3A_144 = arith.cmpi eq, %iota3A_72, %eq3A_143 : vector<1x100xi32>
      %jit3A_145 = arith.constant -1.000000e+00 : f32
      %broadcast_in_dim3A_146 = vector.broadcast %jit3A_145 : f32 to vector<1x100xf32>
      %select_n3A_147 = arith.select %eq3A_144, %broadcast_in_dim3A_146, %select_n3A_111 : vector<1x100xi1>, vector<1x100xf32>
      %reduce_max3A_148 = vector.shape_cast %select_n3A_147 : vector<1x100xf32> to vector<1x1x100xf32>
      %reduce_max3A_149 = arith.constant dense<0xFF800000> : vector<1xf32>
      %reduce_max3A_150 = vector.multi_reduction <maximumf>, %reduce_max3A_148, %reduce_max3A_149 [1, 2] : vector<1x1x100xf32> to vector<1xf32>
      %reduce_max3A_151 = vector.shape_cast %reduce_max3A_150 : vector<1xf32> to vector<1x1x1xf32>
      %reduce_max3A_152 = vector.extract %reduce_max3A_151[0, 0, 0] : f32 from vector<1x1x1xf32>
      %ge3A_153 = vector.broadcast %reduce_max3A_152 : f32 to vector<1x100xf32>
      %ge3A_154 = arith.cmpf oge, %select_n3A_147, %ge3A_153 : vector<1x100xf32>
      %jit3A_155 = arith.constant 100 : i32
      %broadcast_in_dim3A_156 = vector.broadcast %jit3A_155 : i32 to vector<1x100xi32>
      %select_n3A_157 = arith.select %ge3A_154, %iota3A_72, %broadcast_in_dim3A_156 : vector<1x100xi1>, vector<1x100xi32>
      %reduce_min3A_158 = vector.shape_cast %select_n3A_157 : vector<1x100xi32> to vector<1x1x100xi32>
      %reduce_min3A_159 = arith.constant dense<2147483647> : vector<1xi32>
      %reduce_min3A_160 = vector.multi_reduction <minsi>, %reduce_min3A_158, %reduce_min3A_159 [1, 2] : vector<1x1x100xi32> to vector<1xi32>
      %reduce_min3A_161 = vector.shape_cast %reduce_min3A_160 : vector<1xi32> to vector<1x1x1xi32>
      %reduce_min3A_162 = vector.extract %reduce_min3A_161[0, 0, 0] : i32 from vector<1x1x1xi32>
      %add3A_163 = arith.addf %reduce_max3A_152, %reduce_max3A_31 : f32
      %mul3A_164 = arith.constant 5.000000e-01 : f32
      %mul3A_165 = arith.mulf %add3A_163, %mul3A_164 : f32
      %add3A_166 = arith.constant 26 : i32
      %add3A_167 = arith.addi %reduce_min3A_162, %add3A_166 : i32
      %eq3A_168 = vector.broadcast %add3A_167 : i32 to vector<126x16xi32>
      %eq3A_169 = arith.cmpi eq, %iota3A_73, %eq3A_168 : vector<126x16xi32>
      %eq3A_170 = arith.constant 2 : i32
      %eq3A_171 = vector.broadcast %eq3A_170 : i32 to vector<126x16xi32>
      %eq3A_172 = arith.cmpi eq, %iota3A_74, %eq3A_171 : vector<126x16xi32>
      %and3A_173 = arith.andi %eq3A_169, %eq3A_172 : vector<126x16xi1>
      %convert_element_type3A_174 = arith.extui %and3A_173 : vector<126x16xi1> to vector<126x16xi32>
      %convert_element_type3A_175 = arith.sitofp %convert_element_type3A_174 : vector<126x16xi32> to vector<126x16xf32>
      %mul3A_176 = vector.broadcast %mul3A_165 : f32 to vector<126x16xf32>
      %mul3A_177 = arith.mulf %convert_element_type3A_175, %mul3A_176 : vector<126x16xf32>
      %add3A_178 = arith.addf %add3A_142, %mul3A_177 : vector<126x16xf32>
      %eq3A_179 = vector.broadcast %reduce_min3A_162 : i32 to vector<1x100xi32>
      %eq3A_180 = arith.cmpi eq, %iota3A_72, %eq3A_179 : vector<1x100xi32>
      %jit3A_181 = arith.constant -1.000000e+00 : f32
      %broadcast_in_dim3A_182 = vector.broadcast %jit3A_181 : f32 to vector<1x100xf32>
      %select_n3A_183 = arith.select %eq3A_180, %broadcast_in_dim3A_182, %select_n3A_147 : vector<1x100xi1>, vector<1x100xf32>
      %reduce_max3A_184 = vector.shape_cast %select_n3A_183 : vector<1x100xf32> to vector<1x1x100xf32>
      %reduce_max3A_185 = arith.constant dense<0xFF800000> : vector<1xf32>
      %reduce_max3A_186 = vector.multi_reduction <maximumf>, %reduce_max3A_184, %reduce_max3A_185 [1, 2] : vector<1x1x100xf32> to vector<1xf32>
      %reduce_max3A_187 = vector.shape_cast %reduce_max3A_186 : vector<1xf32> to vector<1x1x1xf32>
      %reduce_max3A_188 = vector.extract %reduce_max3A_187[0, 0, 0] : f32 from vector<1x1x1xf32>
      %ge3A_189 = vector.broadcast %reduce_max3A_188 : f32 to vector<1x100xf32>
      %ge3A_190 = arith.cmpf oge, %select_n3A_183, %ge3A_189 : vector<1x100xf32>
      %jit3A_191 = arith.constant 100 : i32
      %broadcast_in_dim3A_192 = vector.broadcast %jit3A_191 : i32 to vector<1x100xi32>
      %select_n3A_193 = arith.select %ge3A_190, %iota3A_72, %broadcast_in_dim3A_192 : vector<1x100xi1>, vector<1x100xi32>
      %reduce_min3A_194 = vector.shape_cast %select_n3A_193 : vector<1x100xi32> to vector<1x1x100xi32>
      %reduce_min3A_195 = arith.constant dense<2147483647> : vector<1xi32>
      %reduce_min3A_196 = vector.multi_reduction <minsi>, %reduce_min3A_194, %reduce_min3A_195 [1, 2] : vector<1x1x100xi32> to vector<1xi32>
      %reduce_min3A_197 = vector.shape_cast %reduce_min3A_196 : vector<1xi32> to vector<1x1x1xi32>
      %reduce_min3A_198 = vector.extract %reduce_min3A_197[0, 0, 0] : i32 from vector<1x1x1xi32>
      %add3A_199 = arith.addf %reduce_max3A_188, %reduce_max3A_31 : f32
      %mul3A_200 = arith.constant 5.000000e-01 : f32
      %mul3A_201 = arith.mulf %add3A_199, %mul3A_200 : f32
      %add3A_202 = arith.constant 26 : i32
      %add3A_203 = arith.addi %reduce_min3A_198, %add3A_202 : i32
      %eq3A_204 = vector.broadcast %add3A_203 : i32 to vector<126x16xi32>
      %eq3A_205 = arith.cmpi eq, %iota3A_73, %eq3A_204 : vector<126x16xi32>
      %eq3A_206 = arith.constant 3 : i32
      %eq3A_207 = vector.broadcast %eq3A_206 : i32 to vector<126x16xi32>
      %eq3A_208 = arith.cmpi eq, %iota3A_74, %eq3A_207 : vector<126x16xi32>
      %and3A_209 = arith.andi %eq3A_205, %eq3A_208 : vector<126x16xi1>
      %convert_element_type3A_210 = arith.extui %and3A_209 : vector<126x16xi1> to vector<126x16xi32>
      %convert_element_type3A_211 = arith.sitofp %convert_element_type3A_210 : vector<126x16xi32> to vector<126x16xf32>
      %mul3A_212 = vector.broadcast %mul3A_201 : f32 to vector<126x16xf32>
      %mul3A_213 = arith.mulf %convert_element_type3A_211, %mul3A_212 : vector<126x16xf32>
      %add3A_214 = arith.addf %add3A_178, %mul3A_213 : vector<126x16xf32>
      %eq3A_215 = vector.broadcast %reduce_min3A_198 : i32 to vector<1x100xi32>
      %eq3A_216 = arith.cmpi eq, %iota3A_72, %eq3A_215 : vector<1x100xi32>
      %jit3A_217 = arith.constant -1.000000e+00 : f32
      %broadcast_in_dim3A_218 = vector.broadcast %jit3A_217 : f32 to vector<1x100xf32>
      %select_n3A_219 = arith.select %eq3A_216, %broadcast_in_dim3A_218, %select_n3A_183 : vector<1x100xi1>, vector<1x100xf32>
      %reduce_max3A_220 = vector.shape_cast %select_n3A_219 : vector<1x100xf32> to vector<1x1x100xf32>
      %reduce_max3A_221 = arith.constant dense<0xFF800000> : vector<1xf32>
      %reduce_max3A_222 = vector.multi_reduction <maximumf>, %reduce_max3A_220, %reduce_max3A_221 [1, 2] : vector<1x1x100xf32> to vector<1xf32>
      %reduce_max3A_223 = vector.shape_cast %reduce_max3A_222 : vector<1xf32> to vector<1x1x1xf32>
      %reduce_max3A_224 = vector.extract %reduce_max3A_223[0, 0, 0] : f32 from vector<1x1x1xf32>
      %ge3A_225 = vector.broadcast %reduce_max3A_224 : f32 to vector<1x100xf32>
      %ge3A_226 = arith.cmpf oge, %select_n3A_219, %ge3A_225 : vector<1x100xf32>
      %jit3A_227 = arith.constant 100 : i32
      %broadcast_in_dim3A_228 = vector.broadcast %jit3A_227 : i32 to vector<1x100xi32>
      %select_n3A_229 = arith.select %ge3A_226, %iota3A_72, %broadcast_in_dim3A_228 : vector<1x100xi1>, vector<1x100xi32>
      %reduce_min3A_230 = vector.shape_cast %select_n3A_229 : vector<1x100xi32> to vector<1x1x100xi32>
      %reduce_min3A_231 = arith.constant dense<2147483647> : vector<1xi32>
      %reduce_min3A_232 = vector.multi_reduction <minsi>, %reduce_min3A_230, %reduce_min3A_231 [1, 2] : vector<1x1x100xi32> to vector<1xi32>
      %reduce_min3A_233 = vector.shape_cast %reduce_min3A_232 : vector<1xi32> to vector<1x1x1xi32>
      %reduce_min3A_234 = vector.extract %reduce_min3A_233[0, 0, 0] : i32 from vector<1x1x1xi32>
      %add3A_235 = arith.addf %reduce_max3A_224, %reduce_max3A_31 : f32
      %mul3A_236 = arith.constant 5.000000e-01 : f32
      %mul3A_237 = arith.mulf %add3A_235, %mul3A_236 : f32
      %add3A_238 = arith.constant 26 : i32
      %add3A_239 = arith.addi %reduce_min3A_234, %add3A_238 : i32
      %eq3A_240 = vector.broadcast %add3A_239 : i32 to vector<126x16xi32>
      %eq3A_241 = arith.cmpi eq, %iota3A_73, %eq3A_240 : vector<126x16xi32>
      %eq3A_242 = arith.constant 4 : i32
      %eq3A_243 = vector.broadcast %eq3A_242 : i32 to vector<126x16xi32>
      %eq3A_244 = arith.cmpi eq, %iota3A_74, %eq3A_243 : vector<126x16xi32>
      %and3A_245 = arith.andi %eq3A_241, %eq3A_244 : vector<126x16xi1>
      %convert_element_type3A_246 = arith.extui %and3A_245 : vector<126x16xi1> to vector<126x16xi32>
      %convert_element_type3A_247 = arith.sitofp %convert_element_type3A_246 : vector<126x16xi32> to vector<126x16xf32>
      %mul3A_248 = vector.broadcast %mul3A_237 : f32 to vector<126x16xf32>
      %mul3A_249 = arith.mulf %convert_element_type3A_247, %mul3A_248 : vector<126x16xf32>
      %add3A_250 = arith.addf %add3A_214, %mul3A_249 : vector<126x16xf32>
      %swap3A_251 = arith.constant 0 : index
      %swap3A_252 = arith.constant 0 : index
      %swap3A_253 = vector.load %arg5[%swap3A_251, %swap3A_252] : memref<126x16xf32, #tpu.memory_space<vmem>>, vector<126x16xf32>
      tpu.vector_store %arg5[%swap3A_251, %swap3A_252], %add3A_250 {strides = array<i32>} : memref<126x16xf32, #tpu.memory_space<vmem>>, vector<126x16xf32>,
    } else {
    }
    %get3A = arith.constant 0 : index
    %get3A_2 = arith.constant 0 : index
    %get3A_3 = vector.load %arg1[%get3A, %get3A_2] : memref<8192x126xf32, #tpu.memory_space<vmem>>, vector<8192x126xf32>
    %get3A_4 = arith.constant 0 : index
    %get3A_5 = arith.constant 0 : index
    %get3A_6 = vector.load %arg5[%get3A_4, %get3A_5] : memref<126x16xf32, #tpu.memory_space<vmem>>, vector<126x16xf32>
    %dot_general3A = arith.constant dense<0.000000e+00> : vector<8192x16xf32>
    %dot_general3A_7 = tpu.matmul %get3A_3, %get3A_6, %dot_general3A {dimension_numbers = #tpu.dot_dimension_numbers<[1], [0], [0], [1], [0, 0, 1, 1], [], []>, transpose_lhs_hint = false} : vector<8192x126xf32>, vector<126x16xf32>, vector<8192x16xf32> -> vector<8192x16xf32>
    %get3A_8 = arith.constant 0 : index
    %get3A_9 = arith.constant 0 : index
    %get3A_10 = vector.load %arg6[%get3A_8, %get3A_9] : memref<1x16xf32, #tpu.memory_space<vmem>>, vector<1x16xf32>
    %add3A = vector.broadcast %get3A_10 : vector<1x16xf32> to vector<8192x16xf32>
    %add3A_11 = arith.addf %dot_general3A_7, %add3A : vector<8192x16xf32>
    %swap3A = arith.constant 0 : index
    %swap3A_12 = arith.constant 0 : index
    %swap3A_13 = vector.load %arg4[%swap3A, %swap3A_12] : memref<8192x16xf32, #tpu.memory_space<vmem>>, vector<8192x16xf32>
    tpu.vector_store %arg4[%swap3A, %swap3A_12], %add3A_11 {strides = array<i32>} : memref<8192x16xf32, #tpu.memory_space<vmem>>, vector<8192x16xf32>,
    return
  }
  func.func @transform_0(%arg0: i32) -> (i32, i32) {
    %c0_i32 = arith.constant 0 : i32
    %c0_i32_0 = arith.constant 0 : i32
    return %arg0, %c0_i32 : i32, i32
  }
  func.func @transform_1(%arg0: i32) -> (i32, i32) {
    %c0_i32 = arith.constant 0 : i32
    %c0_i32_0 = arith.constant 0 : i32
    %c0_i32_1 = arith.constant 0 : i32
    return %c0_i32, %c0_i32_0 : i32, i32
  }
  func.func @transform_2(%arg0: i32) -> (i32, i32) {
    %c0_i32 = arith.constant 0 : i32
    %c0_i32_0 = arith.constant 0 : i32
    %c0_i32_1 = arith.constant 0 : i32
    return %c0_i32, %c0_i32_0 : i32, i32
  }
  func.func @transform_3(%arg0: i32) -> (i32, i32) {
    %c0_i32 = arith.constant 0 : i32
    %c0_i32_0 = arith.constant 0 : i32
    return %arg0, %c0_i32 : i32, i32
  }
}

</mosaic_0001>

<sc_bundles>
// kernel: kernel.4.cloned.1.call-start
scs
__scs_entry_jumppad:
0x0: {  	(pc) =	sbr.rel $0x88, $3  }
0x1: {  	(tag) =	ssettag $0x0;
	lr =	simm.s32 $0x1  }
0x2: {  	[smem:$0x3F9D] =	sst lr;
	_ =	strace $0xD0000000  }
0x3: {  	_ = 	snop  }
0x4: {  	_ = 	snop  }
0x5: {  	_ = 	snop  }
0x6: {  	_ = 	snop  }
0x7: {  	_ = 	snop  }
__scs_overlays_trampoline_lowered:
0x8: {  	[smem:$0x3FAC] =	sst s0  }
0x9: {  	[smem:$0x3FAD] =	sst s1  }
0xa: {  	[smem:$0x3FAE] =	sst s2  }
0xb: {  	[smem:$0x3FAF] =	sst s3  }
0xc: {  	[smem:$0x3FB0] =	sst s4  }
0xd: {  	[smem:$0x3FB1] =	sst s5  }
0xe: {  	[smem:$0x3FB2] =	sst s6  }
0xf: {  	[smem:$0x3FB3] =	sst s7  }
0x10: {  	[smem:$0x3FB4] =	sst s8  }
0x11: {  	[smem:$0x3FB5] =	sst s9;
	s0 =	simm.s32 @!p0 $0x0  }
0x12: {  	s1 =	sld [smem:$0x3F9B];
	s0 =	simm.s32 @p0 $0x1  }
0x13: {  	[smem:$0x3FB6] =	sst s0;
	s0 =	simm.s32 @!p1 $0x0  }
0x14: {  	s2 =	sld [smem:$0x3F9A];
	s0 =	simm.s32 @p1 $0x1  }
0x15: {  	[smem:$0x3FB7] =	sst s0;
	s0 =	simm.s32 @!p2 $0x0  }
0x16: {  	s3 =	sld [smem:$0x3FDB];
	s0 =	simm.s32 @p2 $0x1  }
0x17: {  	s4 =	simm.s32 $0x1BF5;
	[smem:$0x3FB9] =	sst s0  }
0x18: {  	s0 =	sld [smem:$0x3F9C];
	_ =	swait.ge [sflag:s4], $0x0  }
0x19: {  	s7 =	sld [smem:$0x3F9D]  }
0x1a: {  	s8 =	sadd.s32 $0xFFFFE003, lr  }
0x1b: {  	s9 =	sadd.s32 $0xFFFFFEF7, lr;
	s5 =	simm.s32 $0xFFFFFFFF;
	p2 =	slt.u32 s8, $0xFFFFF086  }
0x1c: {  	p1 =	slt.u32 s9, $0xF7A;
	s5 =	simm.s32 @!p2 $0x0  }
0x1d: {  	s5 =	simm.s32 @p1 $0x1;
	p0 =	seq.s32 s7, s2  }
0x1e: {  	s7 =	smul.u32 @!p0 $0xF7A, s2;
	p2 =	seq.s32 @!p0 s5, $0x0  }
0x1f: {  	s9 =	smul.u32 $0xF7A, s1;
	s8 =	simm.s32 @!p0 $0x1BF5;
	p2 =	por !p2, p0  }
0x20: {  	[sflag:s8] =	ssyncset.s32 @!p0 $0xFFFFF086;
	s6 =	sadd.s32 @!p0 s3, s7;
	s7 =	simm.s32 @!p0 $0x108  }
0x21: {  	s3 =	sadd.s32 s3, s9;
	s6 =	sadd.s32 @!p0 $0x88, s6;
	s7 =	simm.s32 @p2 $0x1082  }
0x22: {  	[simem:s7], [sflag:s8] =	dma.local @!p0 [hbm:s6], $0xF7A  }
0x23: {  	s9 =	sor.u32 $0xD0000000, s2;
	s6 =	simm.s32 $0x108;
	_ =	swait.ge @!p0 [sflag:s8], $0x0  }
0x24: {  	s3 =	sadd.s32 $0x88, s3;
	s6 =	simm.s32 @!p1 $0x1082;
	[sflag:s4] =	ssyncset.s32 $0xFFFFF086  }
0x25: {  	[simem:s6], [sflag:s4] =	dma.local [hbm:s3], $0xF7A  }
0x26: {  	[smem:$0x3F9D] =	sst s1;
	(tag) =	ssettag s2;
	_ =	strace s9  }
0x27: {  	s1 =	sld [smem:$0x3FAD]  }
0x28: {  	s2 =	sld [smem:$0x3FAE]  }
0x29: {  	s4 =	sld [smem:$0x3FB0]  }
0x2a: {  	p0 =	seq.s32 s5, $0x0;
	s5 =	sld [smem:$0x3FB1]  }
0x2b: {  	s6 =	sld [smem:$0x3FB2]  }
0x2c: {  	s7 =	sld [smem:$0x3FB3]  }
0x2d: {  	s3 =	simm.s32 $0x108;
	s8 =	sld [smem:$0x3FB4]  }
0x2e: {  	s3 =	simm.s32 @!p0 $0x1082;
	s9 =	sld [smem:$0x3FB5]  }
0x2f: {  	lr =	sadd.s32 s0, s3;
	s0 =	sld [smem:$0x3FAC]  }
0x30: {  	s3 =	sld [smem:$0x3FAF]  }
0x31: {  	[smem:$0x3FB8] =	sst s10  }
0x32: {  	s10 =	sld [smem:$0x3FB6];
	_ =	sdelay $0x3  }
0x33: {  	p0 =	seq.s32 s10, $0x1;
	s10 =	sld [smem:$0x3FB8];
	_ =	sdelay $0x3  }
0x34: {  	[smem:$0x3FB8] =	sst s10  }
0x35: {  	s10 =	sld [smem:$0x3FB7];
	_ =	sdelay $0x3  }
0x36: {  	p1 =	seq.s32 s10, $0x1;
	s10 =	sld [smem:$0x3FB8];
	_ =	sdelay $0x3  }
0x37: {  	[smem:$0x3FB8] =	sst s10  }
0x38: {  	s10 =	sld [smem:$0x3FB9]  }
0x39: {  	_ = 	snop;
	(pc) =	sbr.ind lr, $3  }
0x3a: {  	_ = 	snop  }
0x3b: {  	_ = 	snop  }
0x3c: {  	p2 =	seq.s32 s10, $0x1;
	s10 =	sld [smem:$0x3FB8]  }
0x3d: {  	_ =	shalt  }
0x3e: {  	_ =	shalt  }
0x3f: {  	_ =	shalt  }
0x40: {  	_ =	shalt  }
0x41: {  	_ =	shalt  }
0x42: {  	_ =	shalt  }
0x43: {  	_ =	shalt  }
0x44: {  	_ =	shalt  }
0x45: {  	_ =	shalt  }
0x46: {  	_ =	shalt  }
0x47: {  	_ =	shalt  }
0x48: {  	_ =	shalt  }
0x49: {  	_ =	shalt  }
0x4a: {  	_ =	shalt  }
0x4b: {  	_ =	shalt  }
0x4c: {  	_ =	shalt  }
0x4d: {  	_ =	shalt  }
0x4e: {  	_ =	shalt  }
0x4f: {  	_ =	shalt  }
0x50: {  	_ =	shalt  }
0x51: {  	_ =	shalt  }
0x52: {  	_ =	shalt  }
0x53: {  	_ =	shalt  }
0x54: {  	_ =	shalt  }
0x55: {  	_ =	shalt  }
0x56: {  	_ =	shalt  }
0x57: {  	_ =	shalt  }
0x58: {  	_ =	shalt  }
0x59: {  	_ =	shalt  }
0x5a: {  	_ =	shalt  }
0x5b: {  	_ =	shalt  }
0x5c: {  	_ =	shalt  }
0x5d: {  	_ =	shalt  }
0x5e: {  	_ =	shalt  }
0x5f: {  	_ =	shalt  }
0x60: {  	_ =	shalt  }
0x61: {  	_ =	shalt  }
0x62: {  	_ =	shalt  }
0x63: {  	_ =	shalt  }
0x64: {  	_ =	shalt  }
0x65: {  	_ =	shalt  }
0x66: {  	_ =	shalt  }
0x67: {  	_ =	shalt  }
0x68: {  	_ =	shalt  }
0x69: {  	_ =	shalt  }
0x6a: {  	_ =	shalt  }
0x6b: {  	_ =	shalt  }
0x6c: {  	_ =	shalt  }
0x6d: {  	_ =	shalt  }
0x6e: {  	_ =	shalt  }
0x6f: {  	_ =	shalt  }
0x70: {  	_ =	shalt  }
0x71: {  	_ =	shalt  }
0x72: {  	_ =	shalt  }
0x73: {  	_ =	shalt  }
0x74: {  	_ =	shalt  }
0x75: {  	_ =	shalt  }
0x76: {  	_ =	shalt  }
0x77: {  	_ =	shalt  }
0x78: {  	_ =	shalt  }
0x79: {  	_ =	shalt  }
0x7a: {  	_ =	shalt  }
0x7b: {  	_ =	shalt  }
0x7c: {  	_ =	shalt  }
0x7d: {  	_ =	shalt  }
0x7e: {  	_ =	shalt  }
0x7f: {  	_ =	shalt  }
0x80: {  	_ =	shalt  }
0x81: {  	_ =	shalt  }
0x82: {  	_ =	shalt  }
0x83: {  	_ =	shalt  }
0x84: {  	_ =	shalt  }
0x85: {  	_ =	shalt  }
0x86: {  	_ =	shalt  }
0x87: {  	_ =	shalt  }
.Lfunc_end0:
.L_simem_size_0:
called_computation_lowered:
.L_overlay_start_0:
0x88: {  	s0 =	sld [smem:$0x3FD9]  }
0x89: {  	s1 =	sld [smem:$0x3FFE];
	_ =	sdelay $0x3  }
0x8a: {  	s0 =	sadd.s32 s1, s0  }
0x8b: {  	[smem:$0x3FC4] =	sst s0  }
0x8c: {  	_ = 	snop  }
0x8d: {  	s0 =	sld [smem:$0x3FD0];
	(tm) =	ssettm $0x1  }
0x8e: {  	s16 =	sld [smem:$0x3FFB];
	_ =	sdelay $0x3  }
0x8f: {  	_ =	strace s16  }
0x90: {  	s1 =	sld [smem:$0x3FFC];
	_ =	sdelay $0x3  }
0x91: {  	_ =	strace s1  }
0x92: {  	s1 =	sld [smem:$0x3FFD];
	_ =	sdelay $0x3  }
0x93: {  	_ =	strace s1  }
0x94: {  	_ =	strace $0x8FFFFFFF  }
0x95: {  	s17 =	sld [smem:$0x3FDB];
	_ =	sdelay $0x1  }
0x96: {  	s2 =	simm.s32 $_scs_section_size  }
0x97: {  	s3 =	simm.s32 $_size__tile_overlayer_lowered;
	s4 =	simm.s32 $_tile_overlayer_lowered  }
0x98: {  	s20 =	simm.s32 $0x1BFF;
	s19 =	sshll.u32 s4, $0x1;
	s1 =	sadd.s32 s2, s17  }
0x99: {  	s5 =	simm.s32 $0x0;
	s18 =	sshll.u32 s3, $0x1;
	s3 =	sadd.s32 s19, s1  }
0x9a: {  	[timem:s5], [sflag:s20] =	dma.local [hbm:s3], s18  }
0x9b: {  	_ =	swait.ge [sflag:s20], s18  }
0x9c: {  	s2 =	ssub.s32 $0x0, s18;
	[sflag:s20] =	ssyncset.done $0x0  }
0x9d: {  	[sflag:s20] =	ssyncadd.s32 s2;
	_ =	sdelay $0x1  }
0x9e: {  	s21 =	simm.s32 $0x1B8B  }
0x9f: {  	_ =	swait.ge [sflag:s21], $0x1  }
0xa0: {  	[sflag:s21] =	ssyncset.done $0x0  }
0xa1: {  	s23 =	simm.s32 $0x1B8E;
	s22 =	sld [smem:$0x3FFE];
	[sflag:s21] =	ssyncadd.s32 $0xFFFFFFFF  }
0xa2: {  	s24 =	simm.s32 $execute0_lowered;
	[smem:$0x3FD2] =	sst s23  }
0xa3: {  	s3 =	sshll.u32 s24, $0x1;
	_ =	strace $0x80000046;
	[dreg:$0x1] =	wrdreg $0xFFFFFFFF  }
0xa4: {  	s25 =	simm.s32 $_size_execute0_lowered;
	s1 =	sadd.s32 s1, s3;
	[dreg:$0x0] =	wrdreg $0x0  }
0xa5: {  	s3 =	sshll.u32 s25, $0x1;
	[dreg:$0x2] =	wrdreg s1  }
0xa6: {  	[dreg:$0x3] =	wrdreg s3  }
0xa7: {  	[dreg:$0x4] =	wrdreg $0xC0  }
0xa8: {  	_ =	task [dreg:s5], $0x5FFFF  }
0xa9: {  	[dreg:$0x1] =	wrdreg $0xFFFFFFFF  }
0xaa: {  	[dreg:$0x0] =	wrdreg $0x60  }
0xab: {  	[dreg:$0x2] =	wrdreg s22  }
0xac: {  	[dreg:$0x3] =	wrdreg s0  }
0xad: {  	[dreg:$0x4] =	wrdreg $0x5C000  }
0xae: {  	[dreg:$0x5] =	wrdreg $0x9  }
0xaf: {  	_ =	task.clear_ibuf [dreg:s5], $0x6FFFF;
	_ =	strace $0x90000046  }
0xb0: {  	s26 =	simm.s32 $0x9;
	_ =	strace $0x80000048  }
0xb1: {  	_ =	swait.ge [sflag:s26], $0x1  }
0xb2: {  	[sflag:s26] =	ssyncadd.s32 $0xFFFFFFFF  }
0xb3: {  	_ =	strace $0x90000048  }
0xb4: {  	_ =	sfence  }
0xb5: {  	s28 =	sld [smem:$0x0];
	_ =	sdelay $0x1  }
0xb6: {  	s29 =	srdreg.scid  }
0xb7: {  	s30 =	sshll.u32 s29, $0xD;
	s31 =	sshrl.u32 s29, $0x2  }
0xb8: {  	s2 =	sand.u32 $0x4000, s30;
	s1 =	sand.u32 $0x1, s29;
	s0 =	sadd.s32 s31, s28  }
0xb9: {  	s1 =	sor.u32 s2, s1;
	s0 =	sshll.u32 s0, $0x11  }
0xba: {  	s0 =	sor.u32 s0, s1  }
0xbb: {  	s0 =	sadd.s32 $0x8F2B, s0  }
0xbc: {  	[sflag:s0] =	ssyncadd.remote.s32 $0x1  }
0xbd: {  	_ =	sfence.sel $0xFFFF  }
0xbe: {  	[dreg:$0x0] =	wrdreg $0xFFFFFFFF;
	(pc) =	sbr.abs _section_cstart, $3  }
0xbf: {  	[dreg:$0x1] =	wrdreg $0xFFFFFFFF  }
0xc0: {  	_ =	task.clear_ibuf [dreg:s5], $0x2FFFF;
	_ =	strace $0x9FFFFFFF  }
0xc1: {  	(tm) =	ssettm $0x7FFFFFFF  }
tec
execute0_lowered:
.L_overlay_start_1:
0x0: {  	(tag) =	ssettag $0x1  }
0x1: {  	s1 =	rddreg [dreg:$0x0]  }
0x2: {  	s2 =	rddreg [dreg:$0x1]  }
0x3: {  	s3 =	rddreg [dreg:$0x2]  }
0x4: {  	s0 =	rddreg [dreg:$0x3];
	s4 =	simm.s32 $0x0;
	s5 =	simm.s32 $0x0  }
0x5: {  	[smem:$0x7FF] =	sst s4;
	s8 =	sadd.s32 $0xC00, s1;
	s7 =	sadd.s32 $0x8C00, s1  }
0x6: {  	v0 =	vimm.f32 $0.0e+00;
	s1 =	stileid.u32;
	s4 =	simm.s32 $0x40;
	_ =	strace $0x80000047  }
.LBB2_1:
0x7: {  	p0 =	sne.s32 s4, $0xFC0;
	[tilespmem:s5+$0x4400] =	vst v0;
	s5 =	smov.u32 s4;
	s4 =	sadd.s32 $0x40, s4  }
.Ltmp0:
0x8: {  	(pc) =	sbr.rel @p0 .LBB2_1-.Ltmp0, $2  }
0x9: {  	_ =	sdelay $0x2  }
0xa: {  	s5 =	sshra.s32 s5, $0x2  }
0xb: {  	s9 =	sshll.u32 s1, $0xA  }
0xc: {  	[tilespmem:s5+$0x4400] =	vst v0;
	s6 =	simm.s32 $0x4400;
	s14 =	simm.s32 $0x1;
	s4 =	sadd.s32 s9, s3  }
0xd: {  	[spmem:s4] =	stream.linear.scatter [tilespmem:s6], [sflag:$0x1], $0x400, $0x38;
	[tilespmem:$0x6000] =	vst v63  }
0xe: {  	_ =	swait.ge [sflag:s14], $0x400  }
0xf: {  	s10 =	sshll.u32 s1, $0xB;
	s15 =	simm.s32 $0x0;
	[sflag:s14] =	ssyncset.done $0x0  }
0x10: {  	s11 =	simm.s32 $0x400;
	s8 =	sadd.s32 s8, s10;
	[sflag:s14] =	ssyncadd.s32 $0xFFFFFC00  }
0x11: {  	[tilespmem:s11], [sflag:$0x1] =	stream.linear.gather [hbm4b:s8+s15], $0x4000, $0x38;
	[tilespmem:$0x6000] =	vst v63  }
0x12: {  	_ =	swait.ge [sflag:s14], $0x4000  }
0x13: {  	[sflag:s14] =	ssyncset.done $0x0  }
0x14: {  	[sflag:s14] =	ssyncadd.s32 $0xFFFFC000  }
0x15: {  	v63 =	vld [tilespmem:$0x400];
	_ =	sdelay $0x4  }
0x16: {  	(v2sf) =	vpush v63, $0x6;
	_ =	sdelay $0xe  }
0x17: {  	s16 =	spop (v2sf)  }
0x18: {  	s8 =	scvt.f32.s32 s16;
	_ =	sdelay $0x1  }
0x19: {  	s8 =	sshll.u32 s8, $0xE  }
0x1a: {  	s8 =	sor.u32 s9, s8  }
0x1b: {  	s8 =	sshrl.u32 s8, $0x3  }
0x1c: {  	s7 =	sadd.s32 s7, s8  }
0x1d: {  	[tilespmem:s15], [sflag:$0x1] =	stream.linear.gather [hbm4b:s7+s15], $0x400, $0x38;
	[tilespmem:$0x6000] =	vst v63  }
0x1e: {  	_ =	swait.ge [sflag:s14], $0x400  }
0x1f: {  	[sflag:s14] =	ssyncset.done $0x0  }
0x20: {  	[sflag:s14] =	ssyncadd.s32 $0xFFFFFC00  }
0x21: {  	s17 =	simm.s32 $0x80;
	[bflag:$0x0] =	sbarrier.arrive $0xFFFF  }
0x22: {  	[spmem:s3] =	stream.indirect.scatter.add.f32 [tilespmem:s11], [sflag:$0x1], $0x10, s15, s17, $0xb8;
	[tilespmem:$0x6000] =	vst v63  }
0x23: {  	_ =	swait.ge [sflag:s14], $0x800  }
0x24: {  	[sflag:s14] =	ssyncset.done $0x0  }
0x25: {  	s18 =	simm.s32 $0xC00;
	[sflag:s14] =	ssyncadd.s32 $0xFFFFF800  }
0x26: {  	[spmem:s3] =	stream.indirect.scatter.add.f32 [tilespmem:s18], [sflag:$0x1], $0x10, s17, s17, $0xb8;
	[tilespmem:$0x6000] =	vst v63  }
0x27: {  	_ =	swait.ge [sflag:s14], $0x800  }
0x28: {  	[sflag:s14] =	ssyncset.done $0x0  }
0x29: {  	s19 =	simm.s32 $0x100;
	s20 =	simm.s32 $0x1400;
	[sflag:s14] =	ssyncadd.s32 $0xFFFFF800  }
0x2a: {  	[spmem:s3] =	stream.indirect.scatter.add.f32 [tilespmem:s20], [sflag:$0x1], $0x10, s19, s17, $0xb8;
	[tilespmem:$0x6000] =	vst v63  }
0x2b: {  	_ =	swait.ge [sflag:s14], $0x800  }
0x2c: {  	[sflag:s14] =	ssyncset.done $0x0  }
0x2d: {  	s21 =	simm.s32 $0x180;
	s22 =	simm.s32 $0x1C00;
	[sflag:s14] =	ssyncadd.s32 $0xFFFFF800  }
0x2e: {  	[spmem:s3] =	stream.indirect.scatter.add.f32 [tilespmem:s22], [sflag:$0x1], $0x10, s21, s17, $0xb8;
	[tilespmem:$0x6000] =	vst v63  }
0x2f: {  	_ =	swait.ge [sflag:s14], $0x800  }
0x30: {  	[sflag:s14] =	ssyncset.done $0x0  }
0x31: {  	s23 =	simm.s32 $0x200;
	s24 =	simm.s32 $0x2400;
	[sflag:s14] =	ssyncadd.s32 $0xFFFFF800  }
0x32: {  	[spmem:s3] =	stream.indirect.scatter.add.f32 [tilespmem:s24], [sflag:$0x1], $0x10, s23, s17, $0xb8;
	[tilespmem:$0x6000] =	vst v63  }
0x33: {  	_ =	swait.ge [sflag:s14], $0x800  }
0x34: {  	[sflag:s14] =	ssyncset.done $0x0  }
0x35: {  	s25 =	simm.s32 $0x280;
	s26 =	simm.s32 $0x2C00;
	[sflag:s14] =	ssyncadd.s32 $0xFFFFF800  }
0x36: {  	[spmem:s3] =	stream.indirect.scatter.add.f32 [tilespmem:s26], [sflag:$0x1], $0x10, s25, s17, $0xb8;
	[tilespmem:$0x6000] =	vst v63  }
0x37: {  	_ =	swait.ge [sflag:s14], $0x800  }
0x38: {  	[sflag:s14] =	ssyncset.done $0x0  }
0x39: {  	s28 =	simm.s32 $0x300;
	s29 =	simm.s32 $0x3400;
	[sflag:s14] =	ssyncadd.s32 $0xFFFFF800  }
0x3a: {  	[spmem:s3] =	stream.indirect.scatter.add.f32 [tilespmem:s29], [sflag:$0x1], $0x10, s28, s17, $0xb8;
	[tilespmem:$0x6000] =	vst v63  }
0x3b: {  	_ =	swait.ge [sflag:s14], $0x800  }
0x3c: {  	[sflag:s14] =	ssyncset.done $0x0  }
0x3d: {  	s30 =	simm.s32 $0x380;
	s31 =	simm.s32 $0x3C00;
	[sflag:s14] =	ssyncadd.s32 $0xFFFFF800  }
0x3e: {  	[spmem:s3] =	stream.indirect.scatter.add.f32 [tilespmem:s31], [sflag:$0x1], $0x10, s30, s17, $0xb8;
	[tilespmem:$0x6000] =	vst v63  }
0x3f: {  	_ =	swait.ge [sflag:s14], $0x800  }
0x40: {  	[sflag:s14] =	ssyncset.done $0x0  }
0x41: {  	[sflag:s14] =	ssyncadd.s32 $0xFFFFF800  }
0x42: {  	[bflag:$0x0] =	sbarrier.arrive $0xFFFF  }
0x43: {  	[tilespmem:s6], [sflag:$0x1] =	stream.linear.gather [spmem:s4], $0x400, $0x38;
	[tilespmem:$0x6000] =	vst v63  }
0x44: {  	_ =	swait.ge [sflag:s14], $0x400  }
0x45: {  	[sflag:s14] =	ssyncset.done $0x0  }
0x46: {  	s5 =	simm.s32 $0x0;
	s6 =	simm.s32 $0x40;
	[sflag:s14] =	ssyncadd.s32 $0xFFFFFC00  }
.LBB2_3:
0x47: {  	p0 =	sne.s32 s6, $0xFC0;
	v0 =	vld [tilespmem:s5+$0x4400];
	_ =	sdelay $0x4  }
0x48: {  	v1 =	vmul.f32 v0, v0;
	_ =	sdelay $0x1  }
0x49: {  	v1 =	vmax.f32 v1, $1.000000000e+00  }
0x4a: {  	v1 =	vbroadcast v1, $0x5;
	_ =	sdelay $0x1  }
0x4b: {  	(erf) = vrcp.f32 v1;
	_ =	sdelay $0x7  }
0x4c: {  	v1 =	vbroadcast v0, $0x5  }
0x4d: {  	v2 =	vpop (erf)  }
.Ltmp1:
0x4e: {  	v1 =	vmul.f32 v2, v1;
	(pc) =	sbr.rel @p0 .LBB2_3-.Ltmp1, $3  }
0x4f: {  	_ = 	snop  }
0x50: {  	v0 =	vmul.f32 v1, v0;
	_ =	sdelay $0x1  }
0x51: {  	[tilespmem:s5+$0x4400] =	vst v0;
	s5 =	sshra.s32 s6, $0x2;
	s6 =	sadd.s32 $0x40, s6  }
0x52: {  	v0 =	vld [tilespmem:s5+$0x4400];
	_ =	sdelay $0x4  }
0x53: {  	v1 =	vmul.f32 v0, v0;
	_ =	sdelay $0x1  }
0x54: {  	v1 =	vmax.f32 v1, $1.000000000e+00  }
0x55: {  	v1 =	vbroadcast v1, $0x5;
	_ =	sdelay $0x1  }
0x56: {  	(erf) = vrcp.f32 v1;
	_ =	sdelay $0x7  }
0x57: {  	v1 =	vbroadcast v0, $0x5  }
0x58: {  	v2 =	vpop (erf)  }
0x59: {  	v1 =	vmul.f32 v2, v1;
	_ =	sdelay $0x1  }
0x5a: {  	v0 =	vmul.f32 v1, v0;
	_ =	sdelay $0x1  }
0x5b: {  	s29 =	simm.s32 $0x4400;
	s30 =	simm.s32 $0x1;
	[tilespmem:s5+$0x4400] =	vst v0  }
0x5c: {  	[spmem:s4] =	stream.linear.scatter [tilespmem:s29], [sflag:$0x1], $0x400, $0x38;
	[tilespmem:$0x6000] =	vst v63  }
0x5d: {  	_ =	swait.ge [sflag:s30], $0x400  }
0x5e: {  	[sflag:s30] =	ssyncset.done $0x0  }
0x5f: {  	[sflag:s30] =	ssyncadd.s32 $0xFFFFFC00  }
0x60: {  	s31 =	simm.s32 $0x0;
	s4 =	simm.s32 $0x400;
	[bflag:$0x0] =	sbarrier.arrive $0xFFFF  }
0x61: {  	[tilespmem:s4], [sflag:$0x1] =	stream.linear.gather [spmem:s3], $0x4000, $0x38;
	[tilespmem:$0x6000] =	vst v63  }
0x62: {  	s6 =	sand.u32 $0xE00, s31;
	_ =	swait.ge [sflag:s30], $0x4000  }
0x63: {  	s6 =	sshrl.u32 s6, $0x2;
	s3 =	sand.u32 $0x70, s31;
	[sflag:s30] =	ssyncset.done $0x0  }
0x64: {  	s3 =	sor.u32 s3, s6;
	[sflag:s30] =	ssyncadd.s32 $0xFFFFC000  }
0x65: {  	v0 =	vld [tilespmem:s3+$0x0];
	_ =	sdelay $0x4  }
0x66: {  	v0 =	vshll.u32 v0, $0x4;
	_ =	sdelay $0x4  }
0x67: {  	v1 =	vld.idx.msk [tilespmem:v0+s4+$0x0], $0xffff  }
0x68: {  	v2 =	vor.u32 $0x1, v0;
	_ =	sdelay $0x2  }
0x69: {  	s6 =	simm.s32 $0x0  }
0x6a: {  	[tilespmem:s6+$0x4800] =	vst v1  }
0x6b: {  	v1 =	vld.idx.msk [tilespmem:v2+s4+$0x0], $0xffff  }
0x6c: {  	v2 =	vor.u32 $0x2, v0;
	_ =	sdelay $0x3  }
0x6d: {  	[tilespmem:s6+$0x4C00] =	vst v1  }
0x6e: {  	v1 =	vld.idx.msk [tilespmem:v2+s4+$0x0], $0xffff  }
0x6f: {  	v2 =	vor.u32 $0x3, v0;
	_ =	sdelay $0x3  }
0x70: {  	[tilespmem:s6+$0x5000] =	vst v1  }
0x71: {  	v1 =	vld.idx.msk [tilespmem:v2+s4+$0x0], $0xffff  }
0x72: {  	v0 =	vor.u32 $0x4, v0;
	_ =	sdelay $0x3  }
0x73: {  	[tilespmem:s6+$0x5400] =	vst v1  }
0x74: {  	v0 =	vld.idx.msk [tilespmem:v0+s4+$0x0], $0xffff  }
0x75: {  	s3 =	simm.s32 $0x40  }
0x76: {  	s7 =	simm.s32 $0x10;
	s8 =	sand.u32 $0xE00, s3  }
0x77: {  	s7 =	sand.u32 $0x70, s7;
	s5 =	simm.s32 $0x20;
	s8 =	sshrl.u32 s8, $0x2  }
.LBB2_5:
0x78: {  	p0 =	sne.s32 s5, $0x3F0  }
0x79: {  	s8 =	sor.u32 s7, s8;
	[tilespmem:s6+$0x5800] =	vst v0;
	s7 =	smov.u32 s5;
	s5 =	sadd.s32 $0x10, s5  }
0x7a: {  	v0 =	vld [tilespmem:s8+$0x0];
	_ =	sdelay $0x4  }
0x7b: {  	v0 =	vshll.u32 v0, $0x4;
	_ =	sdelay $0x4  }
0x7c: {  	v1 =	vld.idx.msk [tilespmem:v0+s4+$0x0], $0xffff;
	_ =	sdelay $0x1  }
0x7d: {  	v2 =	vor.u32 $0x1, v0;
	_ =	sdelay $0x2  }
0x7e: {  	s6 =	sshra.s32 s3, $0x2  }
0x7f: {  	[tilespmem:s6+$0x4800] =	vst v1  }
0x80: {  	v1 =	vld.idx.msk [tilespmem:v2+s4+$0x0], $0xffff;
	_ =	sdelay $0x1  }
0x81: {  	v2 =	vor.u32 $0x2, v0;
	_ =	sdelay $0x3  }
0x82: {  	[tilespmem:s6+$0x4C00] =	vst v1  }
0x83: {  	v1 =	vld.idx.msk [tilespmem:v2+s4+$0x0], $0xffff;
	_ =	sdelay $0x1  }
0x84: {  	v2 =	vor.u32 $0x3, v0;
	_ =	sdelay $0x3  }
0x85: {  	[tilespmem:s6+$0x5000] =	vst v1  }
0x86: {  	v1 =	vld.idx.msk [tilespmem:v2+s4+$0x0], $0xffff;
	_ =	sdelay $0x1  }
0x87: {  	v0 =	vor.u32 $0x4, v0;
	_ =	sdelay $0x3  }
0x88: {  	[tilespmem:s6+$0x5400] =	vst v1  }
0x89: {  	v0 =	vld.idx.msk [tilespmem:v0+s4+$0x0], $0xffff  }
.Ltmp2:
0x8a: {  	(pc) =	sbr.rel @p0 .LBB2_5-.Ltmp2, $4  }
0x8b: {  	_ = 	snop  }
0x8c: {  	s3 =	sadd.s32 $0x40, s3  }
0x8d: {  	s8 =	sand.u32 $0xE00, s3  }
0x8e: {  	s7 =	sand.u32 $0x70, s7;
	s8 =	sshrl.u32 s8, $0x2  }
0x8f: {  	s5 =	sor.u32 s7, s8;
	[tilespmem:s6+$0x5800] =	vst v0  }
0x90: {  	v0 =	vld [tilespmem:s5+$0x0];
	_ =	sdelay $0x4  }
0x91: {  	v0 =	vshll.u32 v0, $0x4;
	_ =	sdelay $0x4  }
0x92: {  	v1 =	vld.idx.msk [tilespmem:v0+s4+$0x0], $0xffff  }
0x93: {  	v2 =	vor.u32 $0x1, v0;
	_ =	sdelay $0x2  }
0x94: {  	s3 =	sshra.s32 s3, $0x2  }
0x95: {  	[tilespmem:s3+$0x4800] =	vst v1  }
0x96: {  	v1 =	vld.idx.msk [tilespmem:v2+s4+$0x0], $0xffff  }
0x97: {  	v62 =	vor.u32 $0x2, v0;
	_ =	sdelay $0x3  }
0x98: {  	[tilespmem:s3+$0x4C00] =	vst v1  }
0x99: {  	v1 =	vld.idx.msk [tilespmem:v62+s4+$0x0], $0xffff  }
0x9a: {  	v63 =	vor.u32 $0x3, v0;
	_ =	sdelay $0x3  }
0x9b: {  	[tilespmem:s3+$0x5000] =	vst v1  }
0x9c: {  	v1 =	vld.idx.msk [tilespmem:v63+s4+$0x0], $0xffff  }
0x9d: {  	v0 =	vor.u32 $0x4, v0;
	_ =	sdelay $0x3  }
0x9e: {  	[tilespmem:s3+$0x5400] =	vst v1  }
0x9f: {  	v0 =	vld.idx.msk [tilespmem:v0+s4+$0x0], $0xffff;
	_ =	sdelay $0x3  }
0xa0: {  	s20 =	sshll.u32 s1, $0x7;
	s21 =	simm.s32 $0x0  }
0xa1: {  	s22 =	simm.s32 $0x4800;
	s23 =	simm.s32 $0x1;
	s2 =	sadd.s32 s2, s20;
	[tilespmem:s3+$0x5800] =	vst v0  }
0xa2: {  	[hbm4b:s2+s21] =	stream.linear.scatter [tilespmem:s22], [sflag:$0x1], $0x400, $0x38;
	[tilespmem:$0x6000] =	vst v63  }
0xa3: {  	_ =	swait.ge [sflag:s23], $0x400  }
0xa4: {  	[sflag:s23] =	ssyncset.done $0x0  }
0xa5: {  	s25 =	simm.s32 $0x4C00;
	s24 =	sadd.s32 $0x800, s2;
	[sflag:s23] =	ssyncadd.s32 $0xFFFFFC00  }
0xa6: {  	[hbm4b:s24+s21] =	stream.linear.scatter [tilespmem:s25], [sflag:$0x1], $0x400, $0x38;
	[tilespmem:$0x6000] =	vst v63  }
0xa7: {  	_ =	swait.ge [sflag:s23], $0x400  }
0xa8: {  	[sflag:s23] =	ssyncset.done $0x0  }
0xa9: {  	s28 =	simm.s32 $0x5000;
	s26 =	sadd.s32 $0x1000, s2;
	[sflag:s23] =	ssyncadd.s32 $0xFFFFFC00  }
0xaa: {  	[hbm4b:s26+s21] =	stream.linear.scatter [tilespmem:s28], [sflag:$0x1], $0x400, $0x38;
	[tilespmem:$0x6000] =	vst v63  }
0xab: {  	_ =	swait.ge [sflag:s23], $0x400  }
0xac: {  	[sflag:s23] =	ssyncset.done $0x0  }
0xad: {  	s30 =	simm.s32 $0x5400;
	s29 =	sadd.s32 $0x1800, s2;
	[sflag:s23] =	ssyncadd.s32 $0xFFFFFC00  }
0xae: {  	[hbm4b:s29+s21] =	stream.linear.scatter [tilespmem:s30], [sflag:$0x1], $0x400, $0x38;
	[tilespmem:$0x6000] =	vst v63  }
0xaf: {  	_ =	swait.ge [sflag:s23], $0x400  }
0xb0: {  	[sflag:s23] =	ssyncset.done $0x0  }
0xb1: {  	s31 =	simm.s32 $0x5800;
	s2 =	sadd.s32 $0x2000, s2;
	[sflag:s23] =	ssyncadd.s32 $0xFFFFFC00  }
0xb2: {  	[hbm4b:s2+s21] =	stream.linear.scatter [tilespmem:s31], [sflag:$0x1], $0x400, $0x38;
	[tilespmem:$0x6000] =	vst v63  }
0xb3: {  	_ =	swait.ge [sflag:s23], $0x400  }
0xb4: {  	[sflag:s23] =	ssyncset.done $0x0  }
0xb5: {  	[sflag:s23] =	ssyncadd.s32 $0xFFFFFC00  }
0xb6: {  	_ =	sfence.sel $0x180000  }
0xb7: {  	[bflag:$0x0] =	sbarrier.arrive $0xFFFF  }
0xb8: {  	p0 =	sne.s32 s1, $0x0;
	_ =	strace $0x90000047  }
0xb9: {  	s0 =	sadd.s32 @!p0 $0x100000, s0;
	[bflag:$0x2] =	sbarrier.arrive $0xFFFF  }
0xba: {  	[sflag:s0] =	ssyncadd.tile.s32 @!p0 $0x1;
	_ =	shalt  }
.Lfunc_end2:
_tile_overlayer_lowered:
.L_overlay_start_2:
0xbb: {  	(tag) =	ssettag $0x2  }
0xbc: {  	s0 =	rddreg [dreg:$0x0];
	s2 =	stileid.u32  }
0xbd: {  	s1 =	rddreg [dreg:$0x1];
	p0 =	sne.s32 s2, $0x0  }
0xbe: {  	s3 =	rddreg [dreg:$0x2];
	[bflag:$0x3] =	sbarrier.arrive $0xFFFF;
	s2 =	simm.s32 @!p0 $0x1C01  }
0xbf: {  	[timem:s3], [sflag:s2] =	dma.local @!p0 [hbm:s0], s1  }
0xc0: {  	s0 =	simm.s32 @!p0 $0x1  }
0xc1: {  	_ =	swait.ge @!p0 [sflag:s0], s1  }
0xc2: {  	s1 =	ssub.s32 @!p0 $0x0, s1;
	[sflag:s0] =	ssyncset.done @!p0 $0x0  }
0xc3: {  	[sflag:s0] =	ssyncadd.s32 @!p0 s1  }
0xc4: {  	[bflag:$0x3] =	sbarrier.arrive $0xFFFF  }
0xc5: {  	_ =	shalt  }

</sc_bundles>
